<compile_context>
chip_gen: v7x
topology: tpu7x:2x2x1
jax: 0.10.2.dev20260603
libtpu: 0.0.44.dev20260713+nightly
codegen_flags: <defaults>
</compile_context>

<pallas_src>
import functools

import jax
import jax.numpy as jnp
from jax import lax
from jax.experimental import pallas as pl
from jax.experimental.pallas import tpu as pltpu
from jax.experimental.pallas import tpu_sc as plsc

DIM = 64
NC, NS = 2, 16
NW = NC * NS
CHUNK = 200
HALF = CHUNK // 2
NBUF = 2
K = 1
VPAD = 1024


@functools.cache
def _emb_call(batch, seq):
    n_total = batch * seq
    b_per_w = batch // NW
    n_chunks = b_per_w
    n_outer = n_chunks // NBUF
    assert seq == CHUNK and n_chunks % NBUF == 0 and n_outer >= 2
    mesh = plsc.VectorSubcoreMesh(core_axis_name="c", subcore_axis_name="s")

    @functools.partial(
        pl.kernel,
        out_type=jax.ShapeDtypeStruct((batch, seq, DIM), jnp.float32),
        mesh=mesh,
        scratch_types=(
            [pltpu.VMEM((2 * n_chunks, HALF), jnp.int32),
             pltpu.VMEM((NBUF, CHUNK, DIM), jnp.float32),
             pltpu.VMEM_SHARED((VPAD, DIM), jnp.float32),
             pltpu.VMEM((16, DIM), jnp.float32)]
            + [pltpu.SemaphoreType.DMA] * (2 * NBUF)
        ),
        compiler_params=pltpu.CompilerParams(use_tc_tiling_on_sc=True),
    )
    def emb(idx_hbm, table_hbm, out_hbm, idx_v, rows_v, table_sp, peek_v,
            *sems):
        sem_g, sem_s = sems[:NBUF], sems[NBUF:]
        sid = lax.axis_index("s")
        wid = sid * NC + lax.axis_index("c")
        pltpu.sync_copy(table_hbm.at[pl.ds(sid * 64, 64)],
                        table_sp.at[pl.ds(sid * 64, 64)])
        pltpu.sync_copy(idx_hbm.at[pl.ds(wid * 2 * n_chunks, 2 * n_chunks)],
                        idx_v)
        plsc.subcore_barrier()
        nb = lax.rem(sid + 1, 16)
        pltpu.sync_copy(table_sp.at[pl.ds(nb * 64 + 48, 16)], peek_v)
        plsc.subcore_barrier()
        base_b = wid * b_per_w

        def gather(j, b):
            pltpu.async_copy(table_sp.at[idx_v.at[2 * j]],
                             rows_v.at[b, pl.ds(0, HALF)], sem_g[b])
            pltpu.async_copy(table_sp.at[idx_v.at[2 * j + 1]],
                             rows_v.at[b, pl.ds(HALF, HALF)], sem_g[b])

        def gather_wait(j, b):
            pltpu.make_async_copy(table_sp.at[idx_v.at[2 * j]],
                                  rows_v.at[b, pl.ds(0, HALF)],
                                  sem_g[b]).wait()
            pltpu.make_async_copy(table_sp.at[idx_v.at[2 * j + 1]],
                                  rows_v.at[b, pl.ds(HALF, HALF)],
                                  sem_g[b]).wait()

        def store(j, b):
            pltpu.async_copy(rows_v.at[b], out_hbm.at[base_b + j], sem_s[b])

        def store_wait(j, b):
            pltpu.make_async_copy(rows_v.at[b], out_hbm.at[base_b + j],
                                  sem_s[b]).wait()

        for b in range(K):
            gather(b, b)

        for b in range(NBUF):
            bb = (b + K) % NBUF
            if b >= NBUF - K:
                store_wait(b - (NBUF - K), bb)
            gather(b + K, bb)
            gather_wait(b, b)
            store(b, b)

        def outer(o, carry):
            j0 = o * NBUF
            for b in range(NBUF):
                j = j0 + b
                bb = (b + K) % NBUF
                store_wait(j - (NBUF - K), bb)
                gather(j + K, bb)
                gather_wait(j, b)
                store(j, b)
            return carry

        lax.fori_loop(1, n_outer - 1, outer, 0)

        j0 = (n_outer - 1) * NBUF
        for b in range(NBUF):
            j = j0 + b
            bb = (b + K) % NBUF
            if b < NBUF - K:
                store_wait(j - (NBUF - K), bb)
                gather(j + K, bb)
            gather_wait(j, b)
            store(j, b)

        for b in range(NBUF):
            store_wait(j0 + b, b)

    return emb


def kernel(x, table):
    b, s = x.shape
    idx = x.reshape(2 * b, HALF).astype(jnp.int32)
    tab = jnp.pad(table.astype(jnp.float32),
                  ((0, VPAD - table.shape[0]), (0, 0)))
    return _emb_call(b, s)(idx, tab)

# --- scband reference (transcript-rebuilt; emitter-appended) ---
"""Pipeline reference for scband-byte-embedding-70033736728855 (READ-ONLY COPY).

The authoritative reference and input builder live on the scoring server;
editing this copy changes nothing except your own understanding.
"""

import jax, jax.numpy as jnp
import numpy as np

VOCAB_SIZE = 1000
DIM_TOKEN_EMB = 64
BATCH = 4096
SEQ = 200

def setup_inputs(seed: int = 0) -> dict:
    key = jax.random.key(seed)
    k1, k2 = jax.random.split(key)
    x = jax.random.randint(k1, (BATCH, SEQ), 0, VOCAB_SIZE, dtype=jnp.int64 if jax.config.jax_enable_x64 else jnp.int32)
    table = jax.random.normal(k2, (VOCAB_SIZE, DIM_TOKEN_EMB), dtype=jnp.float32) * 0.02
    return {"x": x, "table": table}

def reference(x, table):
    # nn.Embedding lookup: gather rows of the table by index
    return jnp.take(table, x, axis=0)

if __name__ == "__main__":
    import jax
    _d = setup_inputs()
    print(jax.jit(kernel)(*tuple(_d.values())))

</pallas_src>

<mosaic_0001>
#map = affine_map<(d0, d1) -> (0, 0)>
#map1 = affine_map<(d0, d1) -> (0, 0, 0)>
module attributes {stable_mosaic.version = 14 : i64} {
  func.func @emb(%arg0: i32, %arg1: i32, %arg2: memref<8192x100xi32, #tpu.memory_space<hbm>>, %arg3: memref<1024x64xf32, #tpu.memory_space<hbm>>, %arg4: memref<4096x200x64xf32, #tpu.memory_space<hbm>>, %arg5: memref<256x100xi32, #tpu.memory_space<vmem>>, %arg6: memref<2x200x64xf32, #tpu.memory_space<vmem>>, %arg7: memref<1024x64xf32, #tpu.memory_space<vmem_shared>>, %arg8: memref<16x64xf32, #tpu.memory_space<vmem>>, %arg9: memref<!tpu.dma_semaphore, #tpu.memory_space<semaphore_mem>>, %arg10: memref<!tpu.dma_semaphore, #tpu.memory_space<semaphore_mem>>, %arg11: memref<!tpu.dma_semaphore, #tpu.memory_space<semaphore_mem>>, %arg12: memref<!tpu.dma_semaphore, #tpu.memory_space<semaphore_mem>>) attributes {dimension_semantics = [#tpu.dimension_semantics<core_parallel>, #tpu.dimension_semantics<subcore_parallel>], iteration_bounds = array<i64: 2, 16>, scalar_prefetch = 0 : i64, scratch_operands = 8 : i64, tpu.core_type = #tpu.core_type<sc_vector_subcore>, window_params = [{transform_indices = #map}, {transform_indices = #map}, {transform_indices = #map1}]} {
    %mul3A = arith.constant 2 : i32
    %mul3A_0 = arith.muli %arg1, %mul3A : i32
    %add3A = arith.addi %mul3A_0, %arg0 : i32
    %mul3A_1 = arith.constant 64 : i32
    %mul3A_2 = arith.muli %arg1, %mul3A_1 : i32
    %mul3A_3 = arith.constant 64 : i32
    %mul3A_4 = arith.muli %arg1, %mul3A_3 : i32
    "tpu.region"() ({
      %run_scoped3A = tpu.sem_alloc : memref<!tpu.dma_semaphore, #tpu.memory_space<semaphore_mem>>
      %dma_start3A_366 = arith.constant 0 : i32
      %dma_start3A_367 = tpu.memref_slice %arg7[%mul3A_4, %dma_start3A_366] : memref<1024x64xf32, #tpu.memory_space<vmem_shared>> -> memref<64x64xf32, #tpu.memory_space<vmem_shared>>
      %dma_start3A_368 = arith.constant 0 : i32
      %dma_start3A_369 = tpu.memref_slice %arg3[%mul3A_2, %dma_start3A_368] : memref<1024x64xf32, #tpu.memory_space<hbm>> -> memref<64x64xf32, #tpu.memory_space<hbm>>
      tpu.enqueue_dma source(%dma_start3A_369 : memref<64x64xf32, #tpu.memory_space<hbm>>) target(%dma_start3A_367 : memref<64x64xf32, #tpu.memory_space<vmem_shared>>) target_semaphore(%run_scoped3A : memref<!tpu.dma_semaphore, #tpu.memory_space<semaphore_mem>>)
      %dma_wait3A_370 = arith.constant 0 : i32
      %dma_wait3A_371 = tpu.memref_slice %arg7[%mul3A_4, %dma_wait3A_370] : memref<1024x64xf32, #tpu.memory_space<vmem_shared>> -> memref<64x64xf32, #tpu.memory_space<vmem_shared>>
      %dma_wait3A_372 = arith.constant 0 : i32
      %dma_wait3A_373 = tpu.memref_slice %arg3[%mul3A_2, %dma_wait3A_372] : memref<1024x64xf32, #tpu.memory_space<hbm>> -> memref<64x64xf32, #tpu.memory_space<hbm>>
      tpu.wait_dma2 semaphore(%run_scoped3A : memref<!tpu.dma_semaphore, #tpu.memory_space<semaphore_mem>>) src(%dma_wait3A_373 : memref<64x64xf32, #tpu.memory_space<hbm>>) dst(%dma_wait3A_371 : memref<64x64xf32, #tpu.memory_space<vmem_shared>>)
      tpu.yield
    }) : () -> ()
    %mul3A_5 = arith.constant 2 : i32
    %mul3A_6 = arith.muli %add3A, %mul3A_5 : i32
    %mul3A_7 = arith.constant 128 : i32
    %mul3A_8 = arith.muli %mul3A_6, %mul3A_7 : i32
    "tpu.region"() ({
      %run_scoped3A = tpu.sem_alloc : memref<!tpu.dma_semaphore, #tpu.memory_space<semaphore_mem>>
      %dma_start3A_366 = arith.constant 0 : i32
      %dma_start3A_367 = tpu.memref_slice %arg2[%mul3A_8, %dma_start3A_366] : memref<8192x100xi32, #tpu.memory_space<hbm>> -> memref<256x100xi32, #tpu.memory_space<hbm>>
      %dma_start3A_368 = arith.constant 0 : i32
      %dma_start3A_369 = tpu.memref_slice %arg2[%mul3A_8, %dma_start3A_368] : memref<8192x100xi32, #tpu.memory_space<hbm>> -> memref<256x100xi32, #tpu.memory_space<hbm>>
      tpu.enqueue_dma source(%dma_start3A_369 : memref<256x100xi32, #tpu.memory_space<hbm>>) target(%arg5 : memref<256x100xi32, #tpu.memory_space<vmem>>) target_semaphore(%run_scoped3A : memref<!tpu.dma_semaphore, #tpu.memory_space<semaphore_mem>>)
      %dma_wait3A_370 = arith.constant 0 : i32
      %dma_wait3A_371 = tpu.memref_slice %arg2[%mul3A_8, %dma_wait3A_370] : memref<8192x100xi32, #tpu.memory_space<hbm>> -> memref<256x100xi32, #tpu.memory_space<hbm>>
      %dma_wait3A_372 = arith.constant 0 : i32
      %dma_wait3A_373 = tpu.memref_slice %arg2[%mul3A_8, %dma_wait3A_372] : memref<8192x100xi32, #tpu.memory_space<hbm>> -> memref<256x100xi32, #tpu.memory_space<hbm>>
      tpu.wait_dma2 semaphore(%run_scoped3A : memref<!tpu.dma_semaphore, #tpu.memory_space<semaphore_mem>>) src(%dma_wait3A_373 : memref<256x100xi32, #tpu.memory_space<hbm>>) dst(%arg5 : memref<256x100xi32, #tpu.memory_space<vmem>>)
      tpu.yield
    }) : () -> ()
    %barrier3A = arith.constant 0 : index
    tpu.barrier barrier_id(%barrier3A)
    %add3A_9 = arith.constant 1 : i32
    %add3A_10 = arith.addi %arg1, %add3A_9 : i32
    %rem3A = arith.constant 16 : i32
    %rem3A_11 = arith.remsi %add3A_10, %rem3A : i32
    %mul3A_12 = arith.constant 64 : i32
    %mul3A_13 = arith.muli %rem3A_11, %mul3A_12 : i32
    %add3A_14 = arith.constant 48 : i32
    %add3A_15 = arith.addi %mul3A_13, %add3A_14 : i32
    "tpu.region"() ({
      %run_scoped3A = tpu.sem_alloc : memref<!tpu.dma_semaphore, #tpu.memory_space<semaphore_mem>>
      %dma_start3A_366 = arith.constant 0 : i32
      %dma_start3A_367 = tpu.memref_slice %arg7[%add3A_15, %dma_start3A_366] : memref<1024x64xf32, #tpu.memory_space<vmem_shared>> -> memref<16x64xf32, #tpu.memory_space<vmem_shared>>
      %dma_start3A_368 = arith.constant 0 : i32
      %dma_start3A_369 = tpu.memref_slice %arg7[%add3A_15, %dma_start3A_368] : memref<1024x64xf32, #tpu.memory_space<vmem_shared>> -> memref<16x64xf32, #tpu.memory_space<vmem_shared>>
      tpu.enqueue_dma source(%dma_start3A_369 : memref<16x64xf32, #tpu.memory_space<vmem_shared>>) target(%arg8 : memref<16x64xf32, #tpu.memory_space<vmem>>) target_semaphore(%run_scoped3A : memref<!tpu.dma_semaphore, #tpu.memory_space<semaphore_mem>>)
      %dma_wait3A_370 = arith.constant 0 : i32
      %dma_wait3A_371 = tpu.memref_slice %arg7[%add3A_15, %dma_wait3A_370] : memref<1024x64xf32, #tpu.memory_space<vmem_shared>> -> memref<16x64xf32, #tpu.memory_space<vmem_shared>>
      %dma_wait3A_372 = arith.constant 0 : i32
      %dma_wait3A_373 = tpu.memref_slice %arg7[%add3A_15, %dma_wait3A_372] : memref<1024x64xf32, #tpu.memory_space<vmem_shared>> -> memref<16x64xf32, #tpu.memory_space<vmem_shared>>
      tpu.wait_dma2 semaphore(%run_scoped3A : memref<!tpu.dma_semaphore, #tpu.memory_space<semaphore_mem>>) src(%dma_wait3A_373 : memref<16x64xf32, #tpu.memory_space<vmem_shared>>) dst(%arg8 : memref<16x64xf32, #tpu.memory_space<vmem>>)
      tpu.yield
    }) : () -> ()
    %barrier3A_16 = arith.constant 0 : index
    tpu.barrier barrier_id(%barrier3A_16)
    %mul3A_17 = arith.constant 128 : i32
    %mul3A_18 = arith.muli %add3A, %mul3A_17 : i32
    %dma_start3A = arith.constant 0 : i32
    %dma_start3A_19 = arith.constant 0 : i32
    %dma_start3A_20 = arith.constant 0 : i32
    %dma_start3A_21 = arith.constant 0 : i32
    %dma_start3A_22 = tpu.memref_slice %arg6[%dma_start3A_19, %dma_start3A_20, %dma_start3A_21] : memref<2x200x64xf32, #tpu.memory_space<vmem>> -> memref<1x100x64xf32, #tpu.memory_space<vmem>>
    %dma_start3A_23 = tpu.memref_squeeze %dma_start3A_22 : memref<1x100x64xf32, #tpu.memory_space<vmem>> -> memref<100x64xf32, #tpu.memory_space<vmem>>
    %dma_start3A_24 = arith.constant 0 : i32
    %dma_start3A_25 = tpu.memref_slice %arg5[%dma_start3A, %dma_start3A_24] : memref<256x100xi32, #tpu.memory_space<vmem>> -> memref<1x100xi32, #tpu.memory_space<vmem>>
    %dma_start3A_26 = tpu.memref_squeeze %dma_start3A_25 : memref<1x100xi32, #tpu.memory_space<vmem>> -> memref<100xi32, #tpu.memory_space<vmem>>
    %dma_start3A_27 = arith.constant 0 : i32
    %dma_start3A_28 = arith.constant 0 : i32
    %dma_start3A_29 = tpu.memref_slice %arg7[%dma_start3A_27, %dma_start3A_28] : memref<1024x64xf32, #tpu.memory_space<vmem_shared>> -> memref<1024x64xf32, #tpu.memory_space<vmem_shared>>
    tpu.enqueue_indirect_dma source(%dma_start3A_29 : memref<1024x64xf32, #tpu.memory_space<vmem_shared>>) target(%dma_start3A_23 : memref<100x64xf32, #tpu.memory_space<vmem>>) offsets(%dma_start3A_26 : memref<100xi32, #tpu.memory_space<vmem>>) semaphore(%arg9 : memref<!tpu.dma_semaphore, #tpu.memory_space<semaphore_mem>>)
    %dma_start3A_30 = arith.constant 1 : i32
    %dma_start3A_31 = arith.constant 0 : i32
    %dma_start3A_32 = arith.constant 100 : i32
    %dma_start3A_33 = arith.constant 0 : i32
    %dma_start3A_34 = tpu.memref_slice %arg6[%dma_start3A_31, %dma_start3A_32, %dma_start3A_33] : memref<2x200x64xf32, #tpu.memory_space<vmem>> -> memref<1x100x64xf32, #tpu.memory_space<vmem>>
    %dma_start3A_35 = tpu.memref_squeeze %dma_start3A_34 : memref<1x100x64xf32, #tpu.memory_space<vmem>> -> memref<100x64xf32, #tpu.memory_space<vmem>>
    %dma_start3A_36 = arith.constant 0 : i32
    %dma_start3A_37 = tpu.memref_slice %arg5[%dma_start3A_30, %dma_start3A_36] : memref<256x100xi32, #tpu.memory_space<vmem>> -> memref<1x100xi32, #tpu.memory_space<vmem>>
    %dma_start3A_38 = tpu.memref_squeeze %dma_start3A_37 : memref<1x100xi32, #tpu.memory_space<vmem>> -> memref<100xi32, #tpu.memory_space<vmem>>
    %dma_start3A_39 = arith.constant 0 : i32
    %dma_start3A_40 = arith.constant 0 : i32
    %dma_start3A_41 = tpu.memref_slice %arg7[%dma_start3A_39, %dma_start3A_40] : memref<1024x64xf32, #tpu.memory_space<vmem_shared>> -> memref<1024x64xf32, #tpu.memory_space<vmem_shared>>
    tpu.enqueue_indirect_dma source(%dma_start3A_41 : memref<1024x64xf32, #tpu.memory_space<vmem_shared>>) target(%dma_start3A_35 : memref<100x64xf32, #tpu.memory_space<vmem>>) offsets(%dma_start3A_38 : memref<100xi32, #tpu.memory_space<vmem>>) semaphore(%arg9 : memref<!tpu.dma_semaphore, #tpu.memory_space<semaphore_mem>>)
    %dma_start3A_42 = arith.constant 2 : i32
    %dma_start3A_43 = arith.constant 1 : i32
    %dma_start3A_44 = arith.constant 0 : i32
    %dma_start3A_45 = arith.constant 0 : i32
    %dma_start3A_46 = tpu.memref_slice %arg6[%dma_start3A_43, %dma_start3A_44, %dma_start3A_45] : memref<2x200x64xf32, #tpu.memory_space<vmem>> -> memref<1x100x64xf32, #tpu.memory_space<vmem>>
    %dma_start3A_47 = tpu.memref_squeeze %dma_start3A_46 : memref<1x100x64xf32, #tpu.memory_space<vmem>> -> memref<100x64xf32, #tpu.memory_space<vmem>>
    %dma_start3A_48 = arith.constant 0 : i32
    %dma_start3A_49 = tpu.memref_slice %arg5[%dma_start3A_42, %dma_start3A_48] : memref<256x100xi32, #tpu.memory_space<vmem>> -> memref<1x100xi32, #tpu.memory_space<vmem>>
    %dma_start3A_50 = tpu.memref_squeeze %dma_start3A_49 : memref<1x100xi32, #tpu.memory_space<vmem>> -> memref<100xi32, #tpu.memory_space<vmem>>
    %dma_start3A_51 = arith.constant 0 : i32
    %dma_start3A_52 = arith.constant 0 : i32
    %dma_start3A_53 = tpu.memref_slice %arg7[%dma_start3A_51, %dma_start3A_52] : memref<1024x64xf32, #tpu.memory_space<vmem_shared>> -> memref<1024x64xf32, #tpu.memory_space<vmem_shared>>
    tpu.enqueue_indirect_dma source(%dma_start3A_53 : memref<1024x64xf32, #tpu.memory_space<vmem_shared>>) target(%dma_start3A_47 : memref<100x64xf32, #tpu.memory_space<vmem>>) offsets(%dma_start3A_50 : memref<100xi32, #tpu.memory_space<vmem>>) semaphore(%arg10 : memref<!tpu.dma_semaphore, #tpu.memory_space<semaphore_mem>>)
    %dma_start3A_54 = arith.constant 3 : i32
    %dma_start3A_55 = arith.constant 1 : i32
    %dma_start3A_56 = arith.constant 100 : i32
    %dma_start3A_57 = arith.constant 0 : i32
    %dma_start3A_58 = tpu.memref_slice %arg6[%dma_start3A_55, %dma_start3A_56, %dma_start3A_57] : memref<2x200x64xf32, #tpu.memory_space<vmem>> -> memref<1x100x64xf32, #tpu.memory_space<vmem>>
    %dma_start3A_59 = tpu.memref_squeeze %dma_start3A_58 : memref<1x100x64xf32, #tpu.memory_space<vmem>> -> memref<100x64xf32, #tpu.memory_space<vmem>>
    %dma_start3A_60 = arith.constant 0 : i32
    %dma_start3A_61 = tpu.memref_slice %arg5[%dma_start3A_54, %dma_start3A_60] : memref<256x100xi32, #tpu.memory_space<vmem>> -> memref<1x100xi32, #tpu.memory_space<vmem>>
    %dma_start3A_62 = tpu.memref_squeeze %dma_start3A_61 : memref<1x100xi32, #tpu.memory_space<vmem>> -> memref<100xi32, #tpu.memory_space<vmem>>
    %dma_start3A_63 = arith.constant 0 : i32
    %dma_start3A_64 = arith.constant 0 : i32
    %dma_start3A_65 = tpu.memref_slice %arg7[%dma_start3A_63, %dma_start3A_64] : memref<1024x64xf32, #tpu.memory_space<vmem_shared>> -> memref<1024x64xf32, #tpu.memory_space<vmem_shared>>
    tpu.enqueue_indirect_dma source(%dma_start3A_65 : memref<1024x64xf32, #tpu.memory_space<vmem_shared>>) target(%dma_start3A_59 : memref<100x64xf32, #tpu.memory_space<vmem>>) offsets(%dma_start3A_62 : memref<100xi32, #tpu.memory_space<vmem>>) semaphore(%arg10 : memref<!tpu.dma_semaphore, #tpu.memory_space<semaphore_mem>>)
    %dma_wait3A = arith.constant 0 : i32
    %dma_wait3A_66 = arith.constant 0 : i32
    %dma_wait3A_67 = arith.constant 0 : i32
    %dma_wait3A_68 = arith.constant 0 : i32
    %dma_wait3A_69 = tpu.memref_slice %arg6[%dma_wait3A_66, %dma_wait3A_67, %dma_wait3A_68] : memref<2x200x64xf32, #tpu.memory_space<vmem>> -> memref<1x100x64xf32, #tpu.memory_space<vmem>>
    %dma_wait3A_70 = tpu.memref_squeeze %dma_wait3A_69 : memref<1x100x64xf32, #tpu.memory_space<vmem>> -> memref<100x64xf32, #tpu.memory_space<vmem>>
    %dma_wait3A_71 = arith.constant 0 : i32
    %dma_wait3A_72 = tpu.memref_slice %arg5[%dma_wait3A, %dma_wait3A_71] : memref<256x100xi32, #tpu.memory_space<vmem>> -> memref<1x100xi32, #tpu.memory_space<vmem>>
    %dma_wait3A_73 = tpu.memref_squeeze %dma_wait3A_72 : memref<1x100xi32, #tpu.memory_space<vmem>> -> memref<100xi32, #tpu.memory_space<vmem>>
    %dma_wait3A_74 = arith.constant 0 : i32
    %dma_wait3A_75 = arith.constant 0 : i32
    %dma_wait3A_76 = tpu.memref_slice %arg7[%dma_wait3A_74, %dma_wait3A_75] : memref<1024x64xf32, #tpu.memory_space<vmem_shared>> -> memref<1024x64xf32, #tpu.memory_space<vmem_shared>>
    tpu.wait_indirect_dma semaphore(%arg9 : memref<!tpu.dma_semaphore, #tpu.memory_space<semaphore_mem>>) src(%dma_wait3A_76 : memref<1024x64xf32, #tpu.memory_space<vmem_shared>>) dst(%dma_wait3A_70 : memref<100x64xf32, #tpu.memory_space<vmem>>)
    %dma_wait3A_77 = arith.constant 1 : i32
    %dma_wait3A_78 = arith.constant 0 : i32
    %dma_wait3A_79 = arith.constant 100 : i32
    %dma_wait3A_80 = arith.constant 0 : i32
    %dma_wait3A_81 = tpu.memref_slice %arg6[%dma_wait3A_78, %dma_wait3A_79, %dma_wait3A_80] : memref<2x200x64xf32, #tpu.memory_space<vmem>> -> memref<1x100x64xf32, #tpu.memory_space<vmem>>
    %dma_wait3A_82 = tpu.memref_squeeze %dma_wait3A_81 : memref<1x100x64xf32, #tpu.memory_space<vmem>> -> memref<100x64xf32, #tpu.memory_space<vmem>>
    %dma_wait3A_83 = arith.constant 0 : i32
    %dma_wait3A_84 = tpu.memref_slice %arg5[%dma_wait3A_77, %dma_wait3A_83] : memref<256x100xi32, #tpu.memory_space<vmem>> -> memref<1x100xi32, #tpu.memory_space<vmem>>
    %dma_wait3A_85 = tpu.memref_squeeze %dma_wait3A_84 : memref<1x100xi32, #tpu.memory_space<vmem>> -> memref<100xi32, #tpu.memory_space<vmem>>
    %dma_wait3A_86 = arith.constant 0 : i32
    %dma_wait3A_87 = arith.constant 0 : i32
    %dma_wait3A_88 = tpu.memref_slice %arg7[%dma_wait3A_86, %dma_wait3A_87] : memref<1024x64xf32, #tpu.memory_space<vmem_shared>> -> memref<1024x64xf32, #tpu.memory_space<vmem_shared>>
    tpu.wait_indirect_dma semaphore(%arg9 : memref<!tpu.dma_semaphore, #tpu.memory_space<semaphore_mem>>) src(%dma_wait3A_88 : memref<1024x64xf32, #tpu.memory_space<vmem_shared>>) dst(%dma_wait3A_82 : memref<100x64xf32, #tpu.memory_space<vmem>>)
    %add3A_89 = arith.constant 0 : i32
    %add3A_90 = arith.addi %mul3A_18, %add3A_89 : i32
    %dma_start3A_91 = arith.constant 0 : i32
    %dma_start3A_92 = arith.constant 0 : i32
    %dma_start3A_93 = arith.constant 0 : i32
    %dma_start3A_94 = tpu.memref_slice %arg6[%dma_start3A_91, %dma_start3A_92, %dma_start3A_93] : memref<2x200x64xf32, #tpu.memory_space<vmem>> -> memref<1x200x64xf32, #tpu.memory_space<vmem>>
    %dma_start3A_95 = tpu.memref_squeeze %dma_start3A_94 : memref<1x200x64xf32, #tpu.memory_space<vmem>> -> memref<200x64xf32, #tpu.memory_space<vmem>>
    %dma_start3A_96 = arith.constant 0 : i32
    %dma_start3A_97 = arith.constant 0 : i32
    %dma_start3A_98 = tpu.memref_slice %arg4[%add3A_90, %dma_start3A_96, %dma_start3A_97] : memref<4096x200x64xf32, #tpu.memory_space<hbm>> -> memref<1x200x64xf32, #tpu.memory_space<hbm>>
    %dma_start3A_99 = tpu.memref_squeeze %dma_start3A_98 : memref<1x200x64xf32, #tpu.memory_space<hbm>> -> memref<200x64xf32, #tpu.memory_space<hbm>>
    %dma_start3A_100 = arith.constant 0 : i32
    %dma_start3A_101 = arith.constant 0 : i32
    %dma_start3A_102 = tpu.memref_slice %arg4[%add3A_90, %dma_start3A_100, %dma_start3A_101] : memref<4096x200x64xf32, #tpu.memory_space<hbm>> -> memref<1x200x64xf32, #tpu.memory_space<hbm>>
    %dma_start3A_103 = tpu.memref_squeeze %dma_start3A_102 : memref<1x200x64xf32, #tpu.memory_space<hbm>> -> memref<200x64xf32, #tpu.memory_space<hbm>>
    %dma_start3A_104 = arith.constant 0 : i32
    %dma_start3A_105 = arith.constant 0 : i32
    %dma_start3A_106 = tpu.memref_slice %arg6[%dma_start3A_91, %dma_start3A_104, %dma_start3A_105] : memref<2x200x64xf32, #tpu.memory_space<vmem>> -> memref<1x200x64xf32, #tpu.memory_space<vmem>>
    %dma_start3A_107 = tpu.memref_squeeze %dma_start3A_106 : memref<1x200x64xf32, #tpu.memory_space<vmem>> -> memref<200x64xf32, #tpu.memory_space<vmem>>
    tpu.enqueue_dma source(%dma_start3A_107 : memref<200x64xf32, #tpu.memory_space<vmem>>) target(%dma_start3A_103 : memref<200x64xf32, #tpu.memory_space<hbm>>) target_semaphore(%arg11 : memref<!tpu.dma_semaphore, #tpu.memory_space<semaphore_mem>>)
    %add3A_108 = arith.constant 0 : i32
    %add3A_109 = arith.addi %mul3A_18, %add3A_108 : i32
    %dma_wait3A_110 = arith.constant 0 : i32
    %dma_wait3A_111 = arith.constant 0 : i32
    %dma_wait3A_112 = arith.constant 0 : i32
    %dma_wait3A_113 = tpu.memref_slice %arg6[%dma_wait3A_110, %dma_wait3A_111, %dma_wait3A_112] : memref<2x200x64xf32, #tpu.memory_space<vmem>> -> memref<1x200x64xf32, #tpu.memory_space<vmem>>
    %dma_wait3A_114 = tpu.memref_squeeze %dma_wait3A_113 : memref<1x200x64xf32, #tpu.memory_space<vmem>> -> memref<200x64xf32, #tpu.memory_space<vmem>>
    %dma_wait3A_115 = arith.constant 0 : i32
    %dma_wait3A_116 = arith.constant 0 : i32
    %dma_wait3A_117 = tpu.memref_slice %arg4[%add3A_109, %dma_wait3A_115, %dma_wait3A_116] : memref<4096x200x64xf32, #tpu.memory_space<hbm>> -> memref<1x200x64xf32, #tpu.memory_space<hbm>>
    %dma_wait3A_118 = tpu.memref_squeeze %dma_wait3A_117 : memref<1x200x64xf32, #tpu.memory_space<hbm>> -> memref<200x64xf32, #tpu.memory_space<hbm>>
    %dma_wait3A_119 = arith.constant 0 : i32
    %dma_wait3A_120 = arith.constant 0 : i32
    %dma_wait3A_121 = tpu.memref_slice %arg4[%add3A_109, %dma_wait3A_119, %dma_wait3A_120] : memref<4096x200x64xf32, #tpu.memory_space<hbm>> -> memref<1x200x64xf32, #tpu.memory_space<hbm>>
    %dma_wait3A_122 = tpu.memref_squeeze %dma_wait3A_121 : memref<1x200x64xf32, #tpu.memory_space<hbm>> -> memref<200x64xf32, #tpu.memory_space<hbm>>
    %dma_wait3A_123 = arith.constant 0 : i32
    %dma_wait3A_124 = arith.constant 0 : i32
    %dma_wait3A_125 = tpu.memref_slice %arg6[%dma_wait3A_110, %dma_wait3A_123, %dma_wait3A_124] : memref<2x200x64xf32, #tpu.memory_space<vmem>> -> memref<1x200x64xf32, #tpu.memory_space<vmem>>
    %dma_wait3A_126 = tpu.memref_squeeze %dma_wait3A_125 : memref<1x200x64xf32, #tpu.memory_space<vmem>> -> memref<200x64xf32, #tpu.memory_space<vmem>>
    tpu.wait_dma2 semaphore(%arg11 : memref<!tpu.dma_semaphore, #tpu.memory_space<semaphore_mem>>) src(%dma_wait3A_126 : memref<200x64xf32, #tpu.memory_space<vmem>>) dst(%dma_wait3A_122 : memref<200x64xf32, #tpu.memory_space<hbm>>)
    %dma_start3A_127 = arith.constant 4 : i32
    %dma_start3A_128 = arith.constant 0 : i32
    %dma_start3A_129 = arith.constant 0 : i32
    %dma_start3A_130 = arith.constant 0 : i32
    %dma_start3A_131 = tpu.memref_slice %arg6[%dma_start3A_128, %dma_start3A_129, %dma_start3A_130] : memref<2x200x64xf32, #tpu.memory_space<vmem>> -> memref<1x100x64xf32, #tpu.memory_space<vmem>>
    %dma_start3A_132 = tpu.memref_squeeze %dma_start3A_131 : memref<1x100x64xf32, #tpu.memory_space<vmem>> -> memref<100x64xf32, #tpu.memory_space<vmem>>
    %dma_start3A_133 = arith.constant 0 : i32
    %dma_start3A_134 = tpu.memref_slice %arg5[%dma_start3A_127, %dma_start3A_133] : memref<256x100xi32, #tpu.memory_space<vmem>> -> memref<1x100xi32, #tpu.memory_space<vmem>>
    %dma_start3A_135 = tpu.memref_squeeze %dma_start3A_134 : memref<1x100xi32, #tpu.memory_space<vmem>> -> memref<100xi32, #tpu.memory_space<vmem>>
    %dma_start3A_136 = arith.constant 0 : i32
    %dma_start3A_137 = arith.constant 0 : i32
    %dma_start3A_138 = tpu.memref_slice %arg7[%dma_start3A_136, %dma_start3A_137] : memref<1024x64xf32, #tpu.memory_space<vmem_shared>> -> memref<1024x64xf32, #tpu.memory_space<vmem_shared>>
    tpu.enqueue_indirect_dma source(%dma_start3A_138 : memref<1024x64xf32, #tpu.memory_space<vmem_shared>>) target(%dma_start3A_132 : memref<100x64xf32, #tpu.memory_space<vmem>>) offsets(%dma_start3A_135 : memref<100xi32, #tpu.memory_space<vmem>>) semaphore(%arg9 : memref<!tpu.dma_semaphore, #tpu.memory_space<semaphore_mem>>)
    %dma_start3A_139 = arith.constant 5 : i32
    %dma_start3A_140 = arith.constant 0 : i32
    %dma_start3A_141 = arith.constant 100 : i32
    %dma_start3A_142 = arith.constant 0 : i32
    %dma_start3A_143 = tpu.memref_slice %arg6[%dma_start3A_140, %dma_start3A_141, %dma_start3A_142] : memref<2x200x64xf32, #tpu.memory_space<vmem>> -> memref<1x100x64xf32, #tpu.memory_space<vmem>>
    %dma_start3A_144 = tpu.memref_squeeze %dma_start3A_143 : memref<1x100x64xf32, #tpu.memory_space<vmem>> -> memref<100x64xf32, #tpu.memory_space<vmem>>
    %dma_start3A_145 = arith.constant 0 : i32
    %dma_start3A_146 = tpu.memref_slice %arg5[%dma_start3A_139, %dma_start3A_145] : memref<256x100xi32, #tpu.memory_space<vmem>> -> memref<1x100xi32, #tpu.memory_space<vmem>>
    %dma_start3A_147 = tpu.memref_squeeze %dma_start3A_146 : memref<1x100xi32, #tpu.memory_space<vmem>> -> memref<100xi32, #tpu.memory_space<vmem>>
    %dma_start3A_148 = arith.constant 0 : i32
    %dma_start3A_149 = arith.constant 0 : i32
    %dma_start3A_150 = tpu.memref_slice %arg7[%dma_start3A_148, %dma_start3A_149] : memref<1024x64xf32, #tpu.memory_space<vmem_shared>> -> memref<1024x64xf32, #tpu.memory_space<vmem_shared>>
    tpu.enqueue_indirect_dma source(%dma_start3A_150 : memref<1024x64xf32, #tpu.memory_space<vmem_shared>>) target(%dma_start3A_144 : memref<100x64xf32, #tpu.memory_space<vmem>>) offsets(%dma_start3A_147 : memref<100xi32, #tpu.memory_space<vmem>>) semaphore(%arg9 : memref<!tpu.dma_semaphore, #tpu.memory_space<semaphore_mem>>)
    %dma_wait3A_151 = arith.constant 2 : i32
    %dma_wait3A_152 = arith.constant 1 : i32
    %dma_wait3A_153 = arith.constant 0 : i32
    %dma_wait3A_154 = arith.constant 0 : i32
    %dma_wait3A_155 = tpu.memref_slice %arg6[%dma_wait3A_152, %dma_wait3A_153, %dma_wait3A_154] : memref<2x200x64xf32, #tpu.memory_space<vmem>> -> memref<1x100x64xf32, #tpu.memory_space<vmem>>
    %dma_wait3A_156 = tpu.memref_squeeze %dma_wait3A_155 : memref<1x100x64xf32, #tpu.memory_space<vmem>> -> memref<100x64xf32, #tpu.memory_space<vmem>>
    %dma_wait3A_157 = arith.constant 0 : i32
    %dma_wait3A_158 = tpu.memref_slice %arg5[%dma_wait3A_151, %dma_wait3A_157] : memref<256x100xi32, #tpu.memory_space<vmem>> -> memref<1x100xi32, #tpu.memory_space<vmem>>
    %dma_wait3A_159 = tpu.memref_squeeze %dma_wait3A_158 : memref<1x100xi32, #tpu.memory_space<vmem>> -> memref<100xi32, #tpu.memory_space<vmem>>
    %dma_wait3A_160 = arith.constant 0 : i32
    %dma_wait3A_161 = arith.constant 0 : i32
    %dma_wait3A_162 = tpu.memref_slice %arg7[%dma_wait3A_160, %dma_wait3A_161] : memref<1024x64xf32, #tpu.memory_space<vmem_shared>> -> memref<1024x64xf32, #tpu.memory_space<vmem_shared>>
    tpu.wait_indirect_dma semaphore(%arg10 : memref<!tpu.dma_semaphore, #tpu.memory_space<semaphore_mem>>) src(%dma_wait3A_162 : memref<1024x64xf32, #tpu.memory_space<vmem_shared>>) dst(%dma_wait3A_156 : memref<100x64xf32, #tpu.memory_space<vmem>>)
    %dma_wait3A_163 = arith.constant 3 : i32
    %dma_wait3A_164 = arith.constant 1 : i32
    %dma_wait3A_165 = arith.constant 100 : i32
    %dma_wait3A_166 = arith.constant 0 : i32
    %dma_wait3A_167 = tpu.memref_slice %arg6[%dma_wait3A_164, %dma_wait3A_165, %dma_wait3A_166] : memref<2x200x64xf32, #tpu.memory_space<vmem>> -> memref<1x100x64xf32, #tpu.memory_space<vmem>>
    %dma_wait3A_168 = tpu.memref_squeeze %dma_wait3A_167 : memref<1x100x64xf32, #tpu.memory_space<vmem>> -> memref<100x64xf32, #tpu.memory_space<vmem>>
    %dma_wait3A_169 = arith.constant 0 : i32
    %dma_wait3A_170 = tpu.memref_slice %arg5[%dma_wait3A_163, %dma_wait3A_169] : memref<256x100xi32, #tpu.memory_space<vmem>> -> memref<1x100xi32, #tpu.memory_space<vmem>>
    %dma_wait3A_171 = tpu.memref_squeeze %dma_wait3A_170 : memref<1x100xi32, #tpu.memory_space<vmem>> -> memref<100xi32, #tpu.memory_space<vmem>>
    %dma_wait3A_172 = arith.constant 0 : i32
    %dma_wait3A_173 = arith.constant 0 : i32
    %dma_wait3A_174 = tpu.memref_slice %arg7[%dma_wait3A_172, %dma_wait3A_173] : memref<1024x64xf32, #tpu.memory_space<vmem_shared>> -> memref<1024x64xf32, #tpu.memory_space<vmem_shared>>
    tpu.wait_indirect_dma semaphore(%arg10 : memref<!tpu.dma_semaphore, #tpu.memory_space<semaphore_mem>>) src(%dma_wait3A_174 : memref<1024x64xf32, #tpu.memory_space<vmem_shared>>) dst(%dma_wait3A_168 : memref<100x64xf32, #tpu.memory_space<vmem>>)
    %add3A_175 = arith.constant 1 : i32
    %add3A_176 = arith.addi %mul3A_18, %add3A_175 : i32
    %dma_start3A_177 = arith.constant 1 : i32
    %dma_start3A_178 = arith.constant 0 : i32
    %dma_start3A_179 = arith.constant 0 : i32
    %dma_start3A_180 = tpu.memref_slice %arg6[%dma_start3A_177, %dma_start3A_178, %dma_start3A_179] : memref<2x200x64xf32, #tpu.memory_space<vmem>> -> memref<1x200x64xf32, #tpu.memory_space<vmem>>
    %dma_start3A_181 = tpu.memref_squeeze %dma_start3A_180 : memref<1x200x64xf32, #tpu.memory_space<vmem>> -> memref<200x64xf32, #tpu.memory_space<vmem>>
    %dma_start3A_182 = arith.constant 0 : i32
    %dma_start3A_183 = arith.constant 0 : i32
    %dma_start3A_184 = tpu.memref_slice %arg4[%add3A_176, %dma_start3A_182, %dma_start3A_183] : memref<4096x200x64xf32, #tpu.memory_space<hbm>> -> memref<1x200x64xf32, #tpu.memory_space<hbm>>
    %dma_start3A_185 = tpu.memref_squeeze %dma_start3A_184 : memref<1x200x64xf32, #tpu.memory_space<hbm>> -> memref<200x64xf32, #tpu.memory_space<hbm>>
    %dma_start3A_186 = arith.constant 0 : i32
    %dma_start3A_187 = arith.constant 0 : i32
    %dma_start3A_188 = tpu.memref_slice %arg4[%add3A_176, %dma_start3A_186, %dma_start3A_187] : memref<4096x200x64xf32, #tpu.memory_space<hbm>> -> memref<1x200x64xf32, #tpu.memory_space<hbm>>
    %dma_start3A_189 = tpu.memref_squeeze %dma_start3A_188 : memref<1x200x64xf32, #tpu.memory_space<hbm>> -> memref<200x64xf32, #tpu.memory_space<hbm>>
    %dma_start3A_190 = arith.constant 0 : i32
    %dma_start3A_191 = arith.constant 0 : i32
    %dma_start3A_192 = tpu.memref_slice %arg6[%dma_start3A_177, %dma_start3A_190, %dma_start3A_191] : memref<2x200x64xf32, #tpu.memory_space<vmem>> -> memref<1x200x64xf32, #tpu.memory_space<vmem>>
    %dma_start3A_193 = tpu.memref_squeeze %dma_start3A_192 : memref<1x200x64xf32, #tpu.memory_space<vmem>> -> memref<200x64xf32, #tpu.memory_space<vmem>>
    tpu.enqueue_dma source(%dma_start3A_193 : memref<200x64xf32, #tpu.memory_space<vmem>>) target(%dma_start3A_189 : memref<200x64xf32, #tpu.memory_space<hbm>>) target_semaphore(%arg12 : memref<!tpu.dma_semaphore, #tpu.memory_space<semaphore_mem>>)
    %scan3A = arith.constant 0 : i32
    %scan3A_194 = arith.constant 1 : i32
    %scan3A_195 = arith.constant 62 : i32
    %scan3A_196 = arith.addi %scan3A_194, %scan3A_195 : i32
    %scan3A_197 = arith.constant 1 : i32
    scf.for %scan3A_366 = %scan3A_194 to %scan3A_196 step %scan3A_197  : i32 {
      %mul3A_367 = arith.constant 2 : i32
      %mul3A_368 = arith.muli %scan3A_366, %mul3A_367 : i32
      %add3A_369 = arith.constant 0 : i32
      %add3A_370 = arith.addi %mul3A_368, %add3A_369 : i32
      %sub3A = arith.constant 1 : i32
      %sub3A_371 = arith.subi %add3A_370, %sub3A : i32
      %add3A_372 = arith.addi %mul3A_18, %sub3A_371 : i32
      %dma_wait3A_373 = arith.constant 1 : i32
      %dma_wait3A_374 = arith.constant 0 : i32
      %dma_wait3A_375 = arith.constant 0 : i32
      %dma_wait3A_376 = tpu.memref_slice %arg6[%dma_wait3A_373, %dma_wait3A_374, %dma_wait3A_375] : memref<2x200x64xf32, #tpu.memory_space<vmem>> -> memref<1x200x64xf32, #tpu.memory_space<vmem>>
      %dma_wait3A_377 = tpu.memref_squeeze %dma_wait3A_376 : memref<1x200x64xf32, #tpu.memory_space<vmem>> -> memref<200x64xf32, #tpu.memory_space<vmem>>
      %dma_wait3A_378 = arith.constant 0 : i32
      %dma_wait3A_379 = arith.constant 0 : i32
      %dma_wait3A_380 = tpu.memref_slice %arg4[%add3A_372, %dma_wait3A_378, %dma_wait3A_379] : memref<4096x200x64xf32, #tpu.memory_space<hbm>> -> memref<1x200x64xf32, #tpu.memory_space<hbm>>
      %dma_wait3A_381 = tpu.memref_squeeze %dma_wait3A_380 : memref<1x200x64xf32, #tpu.memory_space<hbm>> -> memref<200x64xf32, #tpu.memory_space<hbm>>
      %dma_wait3A_382 = arith.constant 0 : i32
      %dma_wait3A_383 = arith.constant 0 : i32
      %dma_wait3A_384 = tpu.memref_slice %arg4[%add3A_372, %dma_wait3A_382, %dma_wait3A_383] : memref<4096x200x64xf32, #tpu.memory_space<hbm>> -> memref<1x200x64xf32, #tpu.memory_space<hbm>>
      %dma_wait3A_385 = tpu.memref_squeeze %dma_wait3A_384 : memref<1x200x64xf32, #tpu.memory_space<hbm>> -> memref<200x64xf32, #tpu.memory_space<hbm>>
      %dma_wait3A_386 = arith.constant 0 : i32
      %dma_wait3A_387 = arith.constant 0 : i32
      %dma_wait3A_388 = tpu.memref_slice %arg6[%dma_wait3A_373, %dma_wait3A_386, %dma_wait3A_387] : memref<2x200x64xf32, #tpu.memory_space<vmem>> -> memref<1x200x64xf32, #tpu.memory_space<vmem>>
      %dma_wait3A_389 = tpu.memref_squeeze %dma_wait3A_388 : memref<1x200x64xf32, #tpu.memory_space<vmem>> -> memref<200x64xf32, #tpu.memory_space<vmem>>
      tpu.wait_dma2 semaphore(%arg12 : memref<!tpu.dma_semaphore, #tpu.memory_space<semaphore_mem>>) src(%dma_wait3A_389 : memref<200x64xf32, #tpu.memory_space<vmem>>) dst(%dma_wait3A_385 : memref<200x64xf32, #tpu.memory_space<hbm>>)
      %add3A_390 = arith.constant 1 : i32
      %add3A_391 = arith.addi %add3A_370, %add3A_390 : i32
      %mul3A_392 = arith.constant 2 : i32
      %mul3A_393 = arith.muli %mul3A_392, %add3A_391 : i32
      %dma_start3A_394 = arith.constant 1 : i32
      %dma_start3A_395 = arith.constant 0 : i32
      %dma_start3A_396 = arith.constant 0 : i32
      %dma_start3A_397 = tpu.memref_slice %arg6[%dma_start3A_394, %dma_start3A_395, %dma_start3A_396] : memref<2x200x64xf32, #tpu.memory_space<vmem>> -> memref<1x100x64xf32, #tpu.memory_space<vmem>>
      %dma_start3A_398 = tpu.memref_squeeze %dma_start3A_397 : memref<1x100x64xf32, #tpu.memory_space<vmem>> -> memref<100x64xf32, #tpu.memory_space<vmem>>
      %dma_start3A_399 = arith.constant 0 : i32
      %dma_start3A_400 = tpu.memref_slice %arg5[%mul3A_393, %dma_start3A_399] : memref<256x100xi32, #tpu.memory_space<vmem>> -> memref<1x100xi32, #tpu.memory_space<vmem>>
      %dma_start3A_401 = tpu.memref_squeeze %dma_start3A_400 : memref<1x100xi32, #tpu.memory_space<vmem>> -> memref<100xi32, #tpu.memory_space<vmem>>
      %dma_start3A_402 = arith.constant 0 : i32
      %dma_start3A_403 = arith.constant 0 : i32
      %dma_start3A_404 = tpu.memref_slice %arg7[%dma_start3A_402, %dma_start3A_403] : memref<1024x64xf32, #tpu.memory_space<vmem_shared>> -> memref<1024x64xf32, #tpu.memory_space<vmem_shared>>
      tpu.enqueue_indirect_dma source(%dma_start3A_404 : memref<1024x64xf32, #tpu.memory_space<vmem_shared>>) target(%dma_start3A_398 : memref<100x64xf32, #tpu.memory_space<vmem>>) offsets(%dma_start3A_401 : memref<100xi32, #tpu.memory_space<vmem>>) semaphore(%arg10 : memref<!tpu.dma_semaphore, #tpu.memory_space<semaphore_mem>>)
      %mul3A_405 = arith.constant 2 : i32
      %mul3A_406 = arith.muli %mul3A_405, %add3A_391 : i32
      %add3A_407 = arith.constant 1 : i32
      %add3A_408 = arith.addi %mul3A_406, %add3A_407 : i32
      %dma_start3A_409 = arith.constant 1 : i32
      %dma_start3A_410 = arith.constant 100 : i32
      %dma_start3A_411 = arith.constant 0 : i32
      %dma_start3A_412 = tpu.memref_slice %arg6[%dma_start3A_409, %dma_start3A_410, %dma_start3A_411] : memref<2x200x64xf32, #tpu.memory_space<vmem>> -> memref<1x100x64xf32, #tpu.memory_space<vmem>>
      %dma_start3A_413 = tpu.memref_squeeze %dma_start3A_412 : memref<1x100x64xf32, #tpu.memory_space<vmem>> -> memref<100x64xf32, #tpu.memory_space<vmem>>
      %dma_start3A_414 = arith.constant 0 : i32
      %dma_start3A_415 = tpu.memref_slice %arg5[%add3A_408, %dma_start3A_414] : memref<256x100xi32, #tpu.memory_space<vmem>> -> memref<1x100xi32, #tpu.memory_space<vmem>>
      %dma_start3A_416 = tpu.memref_squeeze %dma_start3A_415 : memref<1x100xi32, #tpu.memory_space<vmem>> -> memref<100xi32, #tpu.memory_space<vmem>>
      %dma_start3A_417 = arith.constant 0 : i32
      %dma_start3A_418 = arith.constant 0 : i32
      %dma_start3A_419 = tpu.memref_slice %arg7[%dma_start3A_417, %dma_start3A_418] : memref<1024x64xf32, #tpu.memory_space<vmem_shared>> -> memref<1024x64xf32, #tpu.memory_space<vmem_shared>>
      tpu.enqueue_indirect_dma source(%dma_start3A_419 : memref<1024x64xf32, #tpu.memory_space<vmem_shared>>) target(%dma_start3A_413 : memref<100x64xf32, #tpu.memory_space<vmem>>) offsets(%dma_start3A_416 : memref<100xi32, #tpu.memory_space<vmem>>) semaphore(%arg10 : memref<!tpu.dma_semaphore, #tpu.memory_space<semaphore_mem>>)
      %mul3A_420 = arith.constant 2 : i32
      %mul3A_421 = arith.muli %mul3A_420, %add3A_370 : i32
      %dma_wait3A_422 = arith.constant 0 : i32
      %dma_wait3A_423 = arith.constant 0 : i32
      %dma_wait3A_424 = arith.constant 0 : i32
      %dma_wait3A_425 = tpu.memref_slice %arg6[%dma_wait3A_422, %dma_wait3A_423, %dma_wait3A_424] : memref<2x200x64xf32, #tpu.memory_space<vmem>> -> memref<1x100x64xf32, #tpu.memory_space<vmem>>
      %dma_wait3A_426 = tpu.memref_squeeze %dma_wait3A_425 : memref<1x100x64xf32, #tpu.memory_space<vmem>> -> memref<100x64xf32, #tpu.memory_space<vmem>>
      %dma_wait3A_427 = arith.constant 0 : i32
      %dma_wait3A_428 = tpu.memref_slice %arg5[%mul3A_421, %dma_wait3A_427] : memref<256x100xi32, #tpu.memory_space<vmem>> -> memref<1x100xi32, #tpu.memory_space<vmem>>
      %dma_wait3A_429 = tpu.memref_squeeze %dma_wait3A_428 : memref<1x100xi32, #tpu.memory_space<vmem>> -> memref<100xi32, #tpu.memory_space<vmem>>
      %dma_wait3A_430 = arith.constant 0 : i32
      %dma_wait3A_431 = arith.constant 0 : i32
      %dma_wait3A_432 = tpu.memref_slice %arg7[%dma_wait3A_430, %dma_wait3A_431] : memref<1024x64xf32, #tpu.memory_space<vmem_shared>> -> memref<1024x64xf32, #tpu.memory_space<vmem_shared>>
      tpu.wait_indirect_dma semaphore(%arg9 : memref<!tpu.dma_semaphore, #tpu.memory_space<semaphore_mem>>) src(%dma_wait3A_432 : memref<1024x64xf32, #tpu.memory_space<vmem_shared>>) dst(%dma_wait3A_426 : memref<100x64xf32, #tpu.memory_space<vmem>>)
      %mul3A_433 = arith.constant 2 : i32
      %mul3A_434 = arith.muli %mul3A_433, %add3A_370 : i32
      %add3A_435 = arith.constant 1 : i32
      %add3A_436 = arith.addi %mul3A_434, %add3A_435 : i32
      %dma_wait3A_437 = arith.constant 0 : i32
      %dma_wait3A_438 = arith.constant 100 : i32
      %dma_wait3A_439 = arith.constant 0 : i32
      %dma_wait3A_440 = tpu.memref_slice %arg6[%dma_wait3A_437, %dma_wait3A_438, %dma_wait3A_439] : memref<2x200x64xf32, #tpu.memory_space<vmem>> -> memref<1x100x64xf32, #tpu.memory_space<vmem>>
      %dma_wait3A_441 = tpu.memref_squeeze %dma_wait3A_440 : memref<1x100x64xf32, #tpu.memory_space<vmem>> -> memref<100x64xf32, #tpu.memory_space<vmem>>
      %dma_wait3A_442 = arith.constant 0 : i32
      %dma_wait3A_443 = tpu.memref_slice %arg5[%add3A_436, %dma_wait3A_442] : memref<256x100xi32, #tpu.memory_space<vmem>> -> memref<1x100xi32, #tpu.memory_space<vmem>>
      %dma_wait3A_444 = tpu.memref_squeeze %dma_wait3A_443 : memref<1x100xi32, #tpu.memory_space<vmem>> -> memref<100xi32, #tpu.memory_space<vmem>>
      %dma_wait3A_445 = arith.constant 0 : i32
      %dma_wait3A_446 = arith.constant 0 : i32
      %dma_wait3A_447 = tpu.memref_slice %arg7[%dma_wait3A_445, %dma_wait3A_446] : memref<1024x64xf32, #tpu.memory_space<vmem_shared>> -> memref<1024x64xf32, #tpu.memory_space<vmem_shared>>
      tpu.wait_indirect_dma semaphore(%arg9 : memref<!tpu.dma_semaphore, #tpu.memory_space<semaphore_mem>>) src(%dma_wait3A_447 : memref<1024x64xf32, #tpu.memory_space<vmem_shared>>) dst(%dma_wait3A_441 : memref<100x64xf32, #tpu.memory_space<vmem>>)
      %add3A_448 = arith.addi %mul3A_18, %add3A_370 : i32
      %dma_start3A_449 = arith.constant 0 : i32
      %dma_start3A_450 = arith.constant 0 : i32
      %dma_start3A_451 = arith.constant 0 : i32
      %dma_start3A_452 = tpu.memref_slice %arg6[%dma_start3A_449, %dma_start3A_450, %dma_start3A_451] : memref<2x200x64xf32, #tpu.memory_space<vmem>> -> memref<1x200x64xf32, #tpu.memory_space<vmem>>
      %dma_start3A_453 = tpu.memref_squeeze %dma_start3A_452 : memref<1x200x64xf32, #tpu.memory_space<vmem>> -> memref<200x64xf32, #tpu.memory_space<vmem>>
      %dma_start3A_454 = arith.constant 0 : i32
      %dma_start3A_455 = arith.constant 0 : i32
      %dma_start3A_456 = tpu.memref_slice %arg4[%add3A_448, %dma_start3A_454, %dma_start3A_455] : memref<4096x200x64xf32, #tpu.memory_space<hbm>> -> memref<1x200x64xf32, #tpu.memory_space<hbm>>
      %dma_start3A_457 = tpu.memref_squeeze %dma_start3A_456 : memref<1x200x64xf32, #tpu.memory_space<hbm>> -> memref<200x64xf32, #tpu.memory_space<hbm>>
      %dma_start3A_458 = arith.constant 0 : i32
      %dma_start3A_459 = arith.constant 0 : i32
      %dma_start3A_460 = tpu.memref_slice %arg4[%add3A_448, %dma_start3A_458, %dma_start3A_459] : memref<4096x200x64xf32, #tpu.memory_space<hbm>> -> memref<1x200x64xf32, #tpu.memory_space<hbm>>
      %dma_start3A_461 = tpu.memref_squeeze %dma_start3A_460 : memref<1x200x64xf32, #tpu.memory_space<hbm>> -> memref<200x64xf32, #tpu.memory_space<hbm>>
      %dma_start3A_462 = arith.constant 0 : i32
      %dma_start3A_463 = arith.constant 0 : i32
      %dma_start3A_464 = tpu.memref_slice %arg6[%dma_start3A_449, %dma_start3A_462, %dma_start3A_463] : memref<2x200x64xf32, #tpu.memory_space<vmem>> -> memref<1x200x64xf32, #tpu.memory_space<vmem>>
      %dma_start3A_465 = tpu.memref_squeeze %dma_start3A_464 : memref<1x200x64xf32, #tpu.memory_space<vmem>> -> memref<200x64xf32, #tpu.memory_space<vmem>>
      tpu.enqueue_dma source(%dma_start3A_465 : memref<200x64xf32, #tpu.memory_space<vmem>>) target(%dma_start3A_461 : memref<200x64xf32, #tpu.memory_space<hbm>>) target_semaphore(%arg11 : memref<!tpu.dma_semaphore, #tpu.memory_space<semaphore_mem>>)
      %add3A_466 = arith.constant 1 : i32
      %add3A_467 = arith.addi %mul3A_368, %add3A_466 : i32
      %sub3A_468 = arith.constant 1 : i32
      %sub3A_469 = arith.subi %add3A_467, %sub3A_468 : i32
      %add3A_470 = arith.addi %mul3A_18, %sub3A_469 : i32
      %dma_wait3A_471 = arith.constant 0 : i32
      %dma_wait3A_472 = arith.constant 0 : i32
      %dma_wait3A_473 = arith.constant 0 : i32
      %dma_wait3A_474 = tpu.memref_slice %arg6[%dma_wait3A_471, %dma_wait3A_472, %dma_wait3A_473] : memref<2x200x64xf32, #tpu.memory_space<vmem>> -> memref<1x200x64xf32, #tpu.memory_space<vmem>>
      %dma_wait3A_475 = tpu.memref_squeeze %dma_wait3A_474 : memref<1x200x64xf32, #tpu.memory_space<vmem>> -> memref<200x64xf32, #tpu.memory_space<vmem>>
      %dma_wait3A_476 = arith.constant 0 : i32
      %dma_wait3A_477 = arith.constant 0 : i32
      %dma_wait3A_478 = tpu.memref_slice %arg4[%add3A_470, %dma_wait3A_476, %dma_wait3A_477] : memref<4096x200x64xf32, #tpu.memory_space<hbm>> -> memref<1x200x64xf32, #tpu.memory_space<hbm>>
      %dma_wait3A_479 = tpu.memref_squeeze %dma_wait3A_478 : memref<1x200x64xf32, #tpu.memory_space<hbm>> -> memref<200x64xf32, #tpu.memory_space<hbm>>
      %dma_wait3A_480 = arith.constant 0 : i32
      %dma_wait3A_481 = arith.constant 0 : i32
      %dma_wait3A_482 = tpu.memref_slice %arg4[%add3A_470, %dma_wait3A_480, %dma_wait3A_481] : memref<4096x200x64xf32, #tpu.memory_space<hbm>> -> memref<1x200x64xf32, #tpu.memory_space<hbm>>
      %dma_wait3A_483 = tpu.memref_squeeze %dma_wait3A_482 : memref<1x200x64xf32, #tpu.memory_space<hbm>> -> memref<200x64xf32, #tpu.memory_space<hbm>>
      %dma_wait3A_484 = arith.constant 0 : i32
      %dma_wait3A_485 = arith.constant 0 : i32
      %dma_wait3A_486 = tpu.memref_slice %arg6[%dma_wait3A_471, %dma_wait3A_484, %dma_wait3A_485] : memref<2x200x64xf32, #tpu.memory_space<vmem>> -> memref<1x200x64xf32, #tpu.memory_space<vmem>>
      %dma_wait3A_487 = tpu.memref_squeeze %dma_wait3A_486 : memref<1x200x64xf32, #tpu.memory_space<vmem>> -> memref<200x64xf32, #tpu.memory_space<vmem>>
      tpu.wait_dma2 semaphore(%arg11 : memref<!tpu.dma_semaphore, #tpu.memory_space<semaphore_mem>>) src(%dma_wait3A_487 : memref<200x64xf32, #tpu.memory_space<vmem>>) dst(%dma_wait3A_483 : memref<200x64xf32, #tpu.memory_space<hbm>>)
      %add3A_488 = arith.constant 1 : i32
      %add3A_489 = arith.addi %add3A_467, %add3A_488 : i32
      %mul3A_490 = arith.constant 2 : i32
      %mul3A_491 = arith.muli %mul3A_490, %add3A_489 : i32
      %dma_start3A_492 = arith.constant 0 : i32
      %dma_start3A_493 = arith.constant 0 : i32
      %dma_start3A_494 = arith.constant 0 : i32
      %dma_start3A_495 = tpu.memref_slice %arg6[%dma_start3A_492, %dma_start3A_493, %dma_start3A_494] : memref<2x200x64xf32, #tpu.memory_space<vmem>> -> memref<1x100x64xf32, #tpu.memory_space<vmem>>
      %dma_start3A_496 = tpu.memref_squeeze %dma_start3A_495 : memref<1x100x64xf32, #tpu.memory_space<vmem>> -> memref<100x64xf32, #tpu.memory_space<vmem>>
      %dma_start3A_497 = arith.constant 0 : i32
      %dma_start3A_498 = tpu.memref_slice %arg5[%mul3A_491, %dma_start3A_497] : memref<256x100xi32, #tpu.memory_space<vmem>> -> memref<1x100xi32, #tpu.memory_space<vmem>>
      %dma_start3A_499 = tpu.memref_squeeze %dma_start3A_498 : memref<1x100xi32, #tpu.memory_space<vmem>> -> memref<100xi32, #tpu.memory_space<vmem>>
      %dma_start3A_500 = arith.constant 0 : i32
      %dma_start3A_501 = arith.constant 0 : i32
      %dma_start3A_502 = tpu.memref_slice %arg7[%dma_start3A_500, %dma_start3A_501] : memref<1024x64xf32, #tpu.memory_space<vmem_shared>> -> memref<1024x64xf32, #tpu.memory_space<vmem_shared>>
      tpu.enqueue_indirect_dma source(%dma_start3A_502 : memref<1024x64xf32, #tpu.memory_space<vmem_shared>>) target(%dma_start3A_496 : memref<100x64xf32, #tpu.memory_space<vmem>>) offsets(%dma_start3A_499 : memref<100xi32, #tpu.memory_space<vmem>>) semaphore(%arg9 : memref<!tpu.dma_semaphore, #tpu.memory_space<semaphore_mem>>)
      %mul3A_503 = arith.constant 2 : i32
      %mul3A_504 = arith.muli %mul3A_503, %add3A_489 : i32
      %add3A_505 = arith.constant 1 : i32
      %add3A_506 = arith.addi %mul3A_504, %add3A_505 : i32
      %dma_start3A_507 = arith.constant 0 : i32
      %dma_start3A_508 = arith.constant 100 : i32
      %dma_start3A_509 = arith.constant 0 : i32
      %dma_start3A_510 = tpu.memref_slice %arg6[%dma_start3A_507, %dma_start3A_508, %dma_start3A_509] : memref<2x200x64xf32, #tpu.memory_space<vmem>> -> memref<1x100x64xf32, #tpu.memory_space<vmem>>
      %dma_start3A_511 = tpu.memref_squeeze %dma_start3A_510 : memref<1x100x64xf32, #tpu.memory_space<vmem>> -> memref<100x64xf32, #tpu.memory_space<vmem>>
      %dma_start3A_512 = arith.constant 0 : i32
      %dma_start3A_513 = tpu.memref_slice %arg5[%add3A_506, %dma_start3A_512] : memref<256x100xi32, #tpu.memory_space<vmem>> -> memref<1x100xi32, #tpu.memory_space<vmem>>
      %dma_start3A_514 = tpu.memref_squeeze %dma_start3A_513 : memref<1x100xi32, #tpu.memory_space<vmem>> -> memref<100xi32, #tpu.memory_space<vmem>>
      %dma_start3A_515 = arith.constant 0 : i32
      %dma_start3A_516 = arith.constant 0 : i32
      %dma_start3A_517 = tpu.memref_slice %arg7[%dma_start3A_515, %dma_start3A_516] : memref<1024x64xf32, #tpu.memory_space<vmem_shared>> -> memref<1024x64xf32, #tpu.memory_space<vmem_shared>>
      tpu.enqueue_indirect_dma source(%dma_start3A_517 : memref<1024x64xf32, #tpu.memory_space<vmem_shared>>) target(%dma_start3A_511 : memref<100x64xf32, #tpu.memory_space<vmem>>) offsets(%dma_start3A_514 : memref<100xi32, #tpu.memory_space<vmem>>) semaphore(%arg9 : memref<!tpu.dma_semaphore, #tpu.memory_space<semaphore_mem>>)
      %mul3A_518 = arith.constant 2 : i32
      %mul3A_519 = arith.muli %mul3A_518, %add3A_467 : i32
      %dma_wait3A_520 = arith.constant 1 : i32
      %dma_wait3A_521 = arith.constant 0 : i32
      %dma_wait3A_522 = arith.constant 0 : i32
      %dma_wait3A_523 = tpu.memref_slice %arg6[%dma_wait3A_520, %dma_wait3A_521, %dma_wait3A_522] : memref<2x200x64xf32, #tpu.memory_space<vmem>> -> memref<1x100x64xf32, #tpu.memory_space<vmem>>
      %dma_wait3A_524 = tpu.memref_squeeze %dma_wait3A_523 : memref<1x100x64xf32, #tpu.memory_space<vmem>> -> memref<100x64xf32, #tpu.memory_space<vmem>>
      %dma_wait3A_525 = arith.constant 0 : i32
      %dma_wait3A_526 = tpu.memref_slice %arg5[%mul3A_519, %dma_wait3A_525] : memref<256x100xi32, #tpu.memory_space<vmem>> -> memref<1x100xi32, #tpu.memory_space<vmem>>
      %dma_wait3A_527 = tpu.memref_squeeze %dma_wait3A_526 : memref<1x100xi32, #tpu.memory_space<vmem>> -> memref<100xi32, #tpu.memory_space<vmem>>
      %dma_wait3A_528 = arith.constant 0 : i32
      %dma_wait3A_529 = arith.constant 0 : i32
      %dma_wait3A_530 = tpu.memref_slice %arg7[%dma_wait3A_528, %dma_wait3A_529] : memref<1024x64xf32, #tpu.memory_space<vmem_shared>> -> memref<1024x64xf32, #tpu.memory_space<vmem_shared>>
      tpu.wait_indirect_dma semaphore(%arg10 : memref<!tpu.dma_semaphore, #tpu.memory_space<semaphore_mem>>) src(%dma_wait3A_530 : memref<1024x64xf32, #tpu.memory_space<vmem_shared>>) dst(%dma_wait3A_524 : memref<100x64xf32, #tpu.memory_space<vmem>>)
      %mul3A_531 = arith.constant 2 : i32
      %mul3A_532 = arith.muli %mul3A_531, %add3A_467 : i32
      %add3A_533 = arith.constant 1 : i32
      %add3A_534 = arith.addi %mul3A_532, %add3A_533 : i32
      %dma_wait3A_535 = arith.constant 1 : i32
      %dma_wait3A_536 = arith.constant 100 : i32
      %dma_wait3A_537 = arith.constant 0 : i32
      %dma_wait3A_538 = tpu.memref_slice %arg6[%dma_wait3A_535, %dma_wait3A_536, %dma_wait3A_537] : memref<2x200x64xf32, #tpu.memory_space<vmem>> -> memref<1x100x64xf32, #tpu.memory_space<vmem>>
      %dma_wait3A_539 = tpu.memref_squeeze %dma_wait3A_538 : memref<1x100x64xf32, #tpu.memory_space<vmem>> -> memref<100x64xf32, #tpu.memory_space<vmem>>
      %dma_wait3A_540 = arith.constant 0 : i32
      %dma_wait3A_541 = tpu.memref_slice %arg5[%add3A_534, %dma_wait3A_540] : memref<256x100xi32, #tpu.memory_space<vmem>> -> memref<1x100xi32, #tpu.memory_space<vmem>>
      %dma_wait3A_542 = tpu.memref_squeeze %dma_wait3A_541 : memref<1x100xi32, #tpu.memory_space<vmem>> -> memref<100xi32, #tpu.memory_space<vmem>>
      %dma_wait3A_543 = arith.constant 0 : i32
      %dma_wait3A_544 = arith.constant 0 : i32
      %dma_wait3A_545 = tpu.memref_slice %arg7[%dma_wait3A_543, %dma_wait3A_544] : memref<1024x64xf32, #tpu.memory_space<vmem_shared>> -> memref<1024x64xf32, #tpu.memory_space<vmem_shared>>
      tpu.wait_indirect_dma semaphore(%arg10 : memref<!tpu.dma_semaphore, #tpu.memory_space<semaphore_mem>>) src(%dma_wait3A_545 : memref<1024x64xf32, #tpu.memory_space<vmem_shared>>) dst(%dma_wait3A_539 : memref<100x64xf32, #tpu.memory_space<vmem>>)
      %add3A_546 = arith.addi %mul3A_18, %add3A_467 : i32
      %dma_start3A_547 = arith.constant 1 : i32
      %dma_start3A_548 = arith.constant 0 : i32
      %dma_start3A_549 = arith.constant 0 : i32
      %dma_start3A_550 = tpu.memref_slice %arg6[%dma_start3A_547, %dma_start3A_548, %dma_start3A_549] : memref<2x200x64xf32, #tpu.memory_space<vmem>> -> memref<1x200x64xf32, #tpu.memory_space<vmem>>
      %dma_start3A_551 = tpu.memref_squeeze %dma_start3A_550 : memref<1x200x64xf32, #tpu.memory_space<vmem>> -> memref<200x64xf32, #tpu.memory_space<vmem>>
      %dma_start3A_552 = arith.constant 0 : i32
      %dma_start3A_553 = arith.constant 0 : i32
      %dma_start3A_554 = tpu.memref_slice %arg4[%add3A_546, %dma_start3A_552, %dma_start3A_553] : memref<4096x200x64xf32, #tpu.memory_space<hbm>> -> memref<1x200x64xf32, #tpu.memory_space<hbm>>
      %dma_start3A_555 = tpu.memref_squeeze %dma_start3A_554 : memref<1x200x64xf32, #tpu.memory_space<hbm>> -> memref<200x64xf32, #tpu.memory_space<hbm>>
      %dma_start3A_556 = arith.constant 0 : i32
      %dma_start3A_557 = arith.constant 0 : i32
      %dma_start3A_558 = tpu.memref_slice %arg4[%add3A_546, %dma_start3A_556, %dma_start3A_557] : memref<4096x200x64xf32, #tpu.memory_space<hbm>> -> memref<1x200x64xf32, #tpu.memory_space<hbm>>
      %dma_start3A_559 = tpu.memref_squeeze %dma_start3A_558 : memref<1x200x64xf32, #tpu.memory_space<hbm>> -> memref<200x64xf32, #tpu.memory_space<hbm>>
      %dma_start3A_560 = arith.constant 0 : i32
      %dma_start3A_561 = arith.constant 0 : i32
      %dma_start3A_562 = tpu.memref_slice %arg6[%dma_start3A_547, %dma_start3A_560, %dma_start3A_561] : memref<2x200x64xf32, #tpu.memory_space<vmem>> -> memref<1x200x64xf32, #tpu.memory_space<vmem>>
      %dma_start3A_563 = tpu.memref_squeeze %dma_start3A_562 : memref<1x200x64xf32, #tpu.memory_space<vmem>> -> memref<200x64xf32, #tpu.memory_space<vmem>>
      tpu.enqueue_dma source(%dma_start3A_563 : memref<200x64xf32, #tpu.memory_space<vmem>>) target(%dma_start3A_559 : memref<200x64xf32, #tpu.memory_space<hbm>>) target_semaphore(%arg12 : memref<!tpu.dma_semaphore, #tpu.memory_space<semaphore_mem>>)
    }
    %scan3A_198 = arith.constant 62 : i32
    %add3A_199 = arith.constant 125 : i32
    %add3A_200 = arith.addi %mul3A_18, %add3A_199 : i32
    %dma_wait3A_201 = arith.constant 1 : i32
    %dma_wait3A_202 = arith.constant 0 : i32
    %dma_wait3A_203 = arith.constant 0 : i32
    %dma_wait3A_204 = tpu.memref_slice %arg6[%dma_wait3A_201, %dma_wait3A_202, %dma_wait3A_203] : memref<2x200x64xf32, #tpu.memory_space<vmem>> -> memref<1x200x64xf32, #tpu.memory_space<vmem>>
    %dma_wait3A_205 = tpu.memref_squeeze %dma_wait3A_204 : memref<1x200x64xf32, #tpu.memory_space<vmem>> -> memref<200x64xf32, #tpu.memory_space<vmem>>
    %dma_wait3A_206 = arith.constant 0 : i32
    %dma_wait3A_207 = arith.constant 0 : i32
    %dma_wait3A_208 = tpu.memref_slice %arg4[%add3A_200, %dma_wait3A_206, %dma_wait3A_207] : memref<4096x200x64xf32, #tpu.memory_space<hbm>> -> memref<1x200x64xf32, #tpu.memory_space<hbm>>
    %dma_wait3A_209 = tpu.memref_squeeze %dma_wait3A_208 : memref<1x200x64xf32, #tpu.memory_space<hbm>> -> memref<200x64xf32, #tpu.memory_space<hbm>>
    %dma_wait3A_210 = arith.constant 0 : i32
    %dma_wait3A_211 = arith.constant 0 : i32
    %dma_wait3A_212 = tpu.memref_slice %arg4[%add3A_200, %dma_wait3A_210, %dma_wait3A_211] : memref<4096x200x64xf32, #tpu.memory_space<hbm>> -> memref<1x200x64xf32, #tpu.memory_space<hbm>>
    %dma_wait3A_213 = tpu.memref_squeeze %dma_wait3A_212 : memref<1x200x64xf32, #tpu.memory_space<hbm>> -> memref<200x64xf32, #tpu.memory_space<hbm>>
    %dma_wait3A_214 = arith.constant 0 : i32
    %dma_wait3A_215 = arith.constant 0 : i32
    %dma_wait3A_216 = tpu.memref_slice %arg6[%dma_wait3A_201, %dma_wait3A_214, %dma_wait3A_215] : memref<2x200x64xf32, #tpu.memory_space<vmem>> -> memref<1x200x64xf32, #tpu.memory_space<vmem>>
    %dma_wait3A_217 = tpu.memref_squeeze %dma_wait3A_216 : memref<1x200x64xf32, #tpu.memory_space<vmem>> -> memref<200x64xf32, #tpu.memory_space<vmem>>
    tpu.wait_dma2 semaphore(%arg12 : memref<!tpu.dma_semaphore, #tpu.memory_space<semaphore_mem>>) src(%dma_wait3A_217 : memref<200x64xf32, #tpu.memory_space<vmem>>) dst(%dma_wait3A_213 : memref<200x64xf32, #tpu.memory_space<hbm>>)
    %dma_start3A_218 = arith.constant 254 : i32
    %dma_start3A_219 = arith.constant 1 : i32
    %dma_start3A_220 = arith.constant 0 : i32
    %dma_start3A_221 = arith.constant 0 : i32
    %dma_start3A_222 = tpu.memref_slice %arg6[%dma_start3A_219, %dma_start3A_220, %dma_start3A_221] : memref<2x200x64xf32, #tpu.memory_space<vmem>> -> memref<1x100x64xf32, #tpu.memory_space<vmem>>
    %dma_start3A_223 = tpu.memref_squeeze %dma_start3A_222 : memref<1x100x64xf32, #tpu.memory_space<vmem>> -> memref<100x64xf32, #tpu.memory_space<vmem>>
    %dma_start3A_224 = arith.constant 0 : i32
    %dma_start3A_225 = tpu.memref_slice %arg5[%dma_start3A_218, %dma_start3A_224] : memref<256x100xi32, #tpu.memory_space<vmem>> -> memref<1x100xi32, #tpu.memory_space<vmem>>
    %dma_start3A_226 = tpu.memref_squeeze %dma_start3A_225 : memref<1x100xi32, #tpu.memory_space<vmem>> -> memref<100xi32, #tpu.memory_space<vmem>>
    %dma_start3A_227 = arith.constant 0 : i32
    %dma_start3A_228 = arith.constant 0 : i32
    %dma_start3A_229 = tpu.memref_slice %arg7[%dma_start3A_227, %dma_start3A_228] : memref<1024x64xf32, #tpu.memory_space<vmem_shared>> -> memref<1024x64xf32, #tpu.memory_space<vmem_shared>>
    tpu.enqueue_indirect_dma source(%dma_start3A_229 : memref<1024x64xf32, #tpu.memory_space<vmem_shared>>) target(%dma_start3A_223 : memref<100x64xf32, #tpu.memory_space<vmem>>) offsets(%dma_start3A_226 : memref<100xi32, #tpu.memory_space<vmem>>) semaphore(%arg10 : memref<!tpu.dma_semaphore, #tpu.memory_space<semaphore_mem>>)
    %dma_start3A_230 = arith.constant 255 : i32
    %dma_start3A_231 = arith.constant 1 : i32
    %dma_start3A_232 = arith.constant 100 : i32
    %dma_start3A_233 = arith.constant 0 : i32
    %dma_start3A_234 = tpu.memref_slice %arg6[%dma_start3A_231, %dma_start3A_232, %dma_start3A_233] : memref<2x200x64xf32, #tpu.memory_space<vmem>> -> memref<1x100x64xf32, #tpu.memory_space<vmem>>
    %dma_start3A_235 = tpu.memref_squeeze %dma_start3A_234 : memref<1x100x64xf32, #tpu.memory_space<vmem>> -> memref<100x64xf32, #tpu.memory_space<vmem>>
    %dma_start3A_236 = arith.constant 0 : i32
    %dma_start3A_237 = tpu.memref_slice %arg5[%dma_start3A_230, %dma_start3A_236] : memref<256x100xi32, #tpu.memory_space<vmem>> -> memref<1x100xi32, #tpu.memory_space<vmem>>
    %dma_start3A_238 = tpu.memref_squeeze %dma_start3A_237 : memref<1x100xi32, #tpu.memory_space<vmem>> -> memref<100xi32, #tpu.memory_space<vmem>>
    %dma_start3A_239 = arith.constant 0 : i32
    %dma_start3A_240 = arith.constant 0 : i32
    %dma_start3A_241 = tpu.memref_slice %arg7[%dma_start3A_239, %dma_start3A_240] : memref<1024x64xf32, #tpu.memory_space<vmem_shared>> -> memref<1024x64xf32, #tpu.memory_space<vmem_shared>>
    tpu.enqueue_indirect_dma source(%dma_start3A_241 : memref<1024x64xf32, #tpu.memory_space<vmem_shared>>) target(%dma_start3A_235 : memref<100x64xf32, #tpu.memory_space<vmem>>) offsets(%dma_start3A_238 : memref<100xi32, #tpu.memory_space<vmem>>) semaphore(%arg10 : memref<!tpu.dma_semaphore, #tpu.memory_space<semaphore_mem>>)
    %dma_wait3A_242 = arith.constant 252 : i32
    %dma_wait3A_243 = arith.constant 0 : i32
    %dma_wait3A_244 = arith.constant 0 : i32
    %dma_wait3A_245 = arith.constant 0 : i32
    %dma_wait3A_246 = tpu.memref_slice %arg6[%dma_wait3A_243, %dma_wait3A_244, %dma_wait3A_245] : memref<2x200x64xf32, #tpu.memory_space<vmem>> -> memref<1x100x64xf32, #tpu.memory_space<vmem>>
    %dma_wait3A_247 = tpu.memref_squeeze %dma_wait3A_246 : memref<1x100x64xf32, #tpu.memory_space<vmem>> -> memref<100x64xf32, #tpu.memory_space<vmem>>
    %dma_wait3A_248 = arith.constant 0 : i32
    %dma_wait3A_249 = tpu.memref_slice %arg5[%dma_wait3A_242, %dma_wait3A_248] : memref<256x100xi32, #tpu.memory_space<vmem>> -> memref<1x100xi32, #tpu.memory_space<vmem>>
    %dma_wait3A_250 = tpu.memref_squeeze %dma_wait3A_249 : memref<1x100xi32, #tpu.memory_space<vmem>> -> memref<100xi32, #tpu.memory_space<vmem>>
    %dma_wait3A_251 = arith.constant 0 : i32
    %dma_wait3A_252 = arith.constant 0 : i32
    %dma_wait3A_253 = tpu.memref_slice %arg7[%dma_wait3A_251, %dma_wait3A_252] : memref<1024x64xf32, #tpu.memory_space<vmem_shared>> -> memref<1024x64xf32, #tpu.memory_space<vmem_shared>>
    tpu.wait_indirect_dma semaphore(%arg9 : memref<!tpu.dma_semaphore, #tpu.memory_space<semaphore_mem>>) src(%dma_wait3A_253 : memref<1024x64xf32, #tpu.memory_space<vmem_shared>>) dst(%dma_wait3A_247 : memref<100x64xf32, #tpu.memory_space<vmem>>)
    %dma_wait3A_254 = arith.constant 253 : i32
    %dma_wait3A_255 = arith.constant 0 : i32
    %dma_wait3A_256 = arith.constant 100 : i32
    %dma_wait3A_257 = arith.constant 0 : i32
    %dma_wait3A_258 = tpu.memref_slice %arg6[%dma_wait3A_255, %dma_wait3A_256, %dma_wait3A_257] : memref<2x200x64xf32, #tpu.memory_space<vmem>> -> memref<1x100x64xf32, #tpu.memory_space<vmem>>
    %dma_wait3A_259 = tpu.memref_squeeze %dma_wait3A_258 : memref<1x100x64xf32, #tpu.memory_space<vmem>> -> memref<100x64xf32, #tpu.memory_space<vmem>>
    %dma_wait3A_260 = arith.constant 0 : i32
    %dma_wait3A_261 = tpu.memref_slice %arg5[%dma_wait3A_254, %dma_wait3A_260] : memref<256x100xi32, #tpu.memory_space<vmem>> -> memref<1x100xi32, #tpu.memory_space<vmem>>
    %dma_wait3A_262 = tpu.memref_squeeze %dma_wait3A_261 : memref<1x100xi32, #tpu.memory_space<vmem>> -> memref<100xi32, #tpu.memory_space<vmem>>
    %dma_wait3A_263 = arith.constant 0 : i32
    %dma_wait3A_264 = arith.constant 0 : i32
    %dma_wait3A_265 = tpu.memref_slice %arg7[%dma_wait3A_263, %dma_wait3A_264] : memref<1024x64xf32, #tpu.memory_space<vmem_shared>> -> memref<1024x64xf32, #tpu.memory_space<vmem_shared>>
    tpu.wait_indirect_dma semaphore(%arg9 : memref<!tpu.dma_semaphore, #tpu.memory_space<semaphore_mem>>) src(%dma_wait3A_265 : memref<1024x64xf32, #tpu.memory_space<vmem_shared>>) dst(%dma_wait3A_259 : memref<100x64xf32, #tpu.memory_space<vmem>>)
    %add3A_266 = arith.constant 126 : i32
    %add3A_267 = arith.addi %mul3A_18, %add3A_266 : i32
    %dma_start3A_268 = arith.constant 0 : i32
    %dma_start3A_269 = arith.constant 0 : i32
    %dma_start3A_270 = arith.constant 0 : i32
    %dma_start3A_271 = tpu.memref_slice %arg6[%dma_start3A_268, %dma_start3A_269, %dma_start3A_270] : memref<2x200x64xf32, #tpu.memory_space<vmem>> -> memref<1x200x64xf32, #tpu.memory_space<vmem>>
    %dma_start3A_272 = tpu.memref_squeeze %dma_start3A_271 : memref<1x200x64xf32, #tpu.memory_space<vmem>> -> memref<200x64xf32, #tpu.memory_space<vmem>>
    %dma_start3A_273 = arith.constant 0 : i32
    %dma_start3A_274 = arith.constant 0 : i32
    %dma_start3A_275 = tpu.memref_slice %arg4[%add3A_267, %dma_start3A_273, %dma_start3A_274] : memref<4096x200x64xf32, #tpu.memory_space<hbm>> -> memref<1x200x64xf32, #tpu.memory_space<hbm>>
    %dma_start3A_276 = tpu.memref_squeeze %dma_start3A_275 : memref<1x200x64xf32, #tpu.memory_space<hbm>> -> memref<200x64xf32, #tpu.memory_space<hbm>>
    %dma_start3A_277 = arith.constant 0 : i32
    %dma_start3A_278 = arith.constant 0 : i32
    %dma_start3A_279 = tpu.memref_slice %arg4[%add3A_267, %dma_start3A_277, %dma_start3A_278] : memref<4096x200x64xf32, #tpu.memory_space<hbm>> -> memref<1x200x64xf32, #tpu.memory_space<hbm>>
    %dma_start3A_280 = tpu.memref_squeeze %dma_start3A_279 : memref<1x200x64xf32, #tpu.memory_space<hbm>> -> memref<200x64xf32, #tpu.memory_space<hbm>>
    %dma_start3A_281 = arith.constant 0 : i32
    %dma_start3A_282 = arith.constant 0 : i32
    %dma_start3A_283 = tpu.memref_slice %arg6[%dma_start3A_268, %dma_start3A_281, %dma_start3A_282] : memref<2x200x64xf32, #tpu.memory_space<vmem>> -> memref<1x200x64xf32, #tpu.memory_space<vmem>>
    %dma_start3A_284 = tpu.memref_squeeze %dma_start3A_283 : memref<1x200x64xf32, #tpu.memory_space<vmem>> -> memref<200x64xf32, #tpu.memory_space<vmem>>
    tpu.enqueue_dma source(%dma_start3A_284 : memref<200x64xf32, #tpu.memory_space<vmem>>) target(%dma_start3A_280 : memref<200x64xf32, #tpu.memory_space<hbm>>) target_semaphore(%arg11 : memref<!tpu.dma_semaphore, #tpu.memory_space<semaphore_mem>>)
    %dma_wait3A_285 = arith.constant 254 : i32
    %dma_wait3A_286 = arith.constant 1 : i32
    %dma_wait3A_287 = arith.constant 0 : i32
    %dma_wait3A_288 = arith.constant 0 : i32
    %dma_wait3A_289 = tpu.memref_slice %arg6[%dma_wait3A_286, %dma_wait3A_287, %dma_wait3A_288] : memref<2x200x64xf32, #tpu.memory_space<vmem>> -> memref<1x100x64xf32, #tpu.memory_space<vmem>>
    %dma_wait3A_290 = tpu.memref_squeeze %dma_wait3A_289 : memref<1x100x64xf32, #tpu.memory_space<vmem>> -> memref<100x64xf32, #tpu.memory_space<vmem>>
    %dma_wait3A_291 = arith.constant 0 : i32
    %dma_wait3A_292 = tpu.memref_slice %arg5[%dma_wait3A_285, %dma_wait3A_291] : memref<256x100xi32, #tpu.memory_space<vmem>> -> memref<1x100xi32, #tpu.memory_space<vmem>>
    %dma_wait3A_293 = tpu.memref_squeeze %dma_wait3A_292 : memref<1x100xi32, #tpu.memory_space<vmem>> -> memref<100xi32, #tpu.memory_space<vmem>>
    %dma_wait3A_294 = arith.constant 0 : i32
    %dma_wait3A_295 = arith.constant 0 : i32
    %dma_wait3A_296 = tpu.memref_slice %arg7[%dma_wait3A_294, %dma_wait3A_295] : memref<1024x64xf32, #tpu.memory_space<vmem_shared>> -> memref<1024x64xf32, #tpu.memory_space<vmem_shared>>
    tpu.wait_indirect_dma semaphore(%arg10 : memref<!tpu.dma_semaphore, #tpu.memory_space<semaphore_mem>>) src(%dma_wait3A_296 : memref<1024x64xf32, #tpu.memory_space<vmem_shared>>) dst(%dma_wait3A_290 : memref<100x64xf32, #tpu.memory_space<vmem>>)
    %dma_wait3A_297 = arith.constant 255 : i32
    %dma_wait3A_298 = arith.constant 1 : i32
    %dma_wait3A_299 = arith.constant 100 : i32
    %dma_wait3A_300 = arith.constant 0 : i32
    %dma_wait3A_301 = tpu.memref_slice %arg6[%dma_wait3A_298, %dma_wait3A_299, %dma_wait3A_300] : memref<2x200x64xf32, #tpu.memory_space<vmem>> -> memref<1x100x64xf32, #tpu.memory_space<vmem>>
    %dma_wait3A_302 = tpu.memref_squeeze %dma_wait3A_301 : memref<1x100x64xf32, #tpu.memory_space<vmem>> -> memref<100x64xf32, #tpu.memory_space<vmem>>
    %dma_wait3A_303 = arith.constant 0 : i32
    %dma_wait3A_304 = tpu.memref_slice %arg5[%dma_wait3A_297, %dma_wait3A_303] : memref<256x100xi32, #tpu.memory_space<vmem>> -> memref<1x100xi32, #tpu.memory_space<vmem>>
    %dma_wait3A_305 = tpu.memref_squeeze %dma_wait3A_304 : memref<1x100xi32, #tpu.memory_space<vmem>> -> memref<100xi32, #tpu.memory_space<vmem>>
    %dma_wait3A_306 = arith.constant 0 : i32
    %dma_wait3A_307 = arith.constant 0 : i32
    %dma_wait3A_308 = tpu.memref_slice %arg7[%dma_wait3A_306, %dma_wait3A_307] : memref<1024x64xf32, #tpu.memory_space<vmem_shared>> -> memref<1024x64xf32, #tpu.memory_space<vmem_shared>>
    tpu.wait_indirect_dma semaphore(%arg10 : memref<!tpu.dma_semaphore, #tpu.memory_space<semaphore_mem>>) src(%dma_wait3A_308 : memref<1024x64xf32, #tpu.memory_space<vmem_shared>>) dst(%dma_wait3A_302 : memref<100x64xf32, #tpu.memory_space<vmem>>)
    %add3A_309 = arith.constant 127 : i32
    %add3A_310 = arith.addi %mul3A_18, %add3A_309 : i32
    %dma_start3A_311 = arith.constant 1 : i32
    %dma_start3A_312 = arith.constant 0 : i32
    %dma_start3A_313 = arith.constant 0 : i32
    %dma_start3A_314 = tpu.memref_slice %arg6[%dma_start3A_311, %dma_start3A_312, %dma_start3A_313] : memref<2x200x64xf32, #tpu.memory_space<vmem>> -> memref<1x200x64xf32, #tpu.memory_space<vmem>>
    %dma_start3A_315 = tpu.memref_squeeze %dma_start3A_314 : memref<1x200x64xf32, #tpu.memory_space<vmem>> -> memref<200x64xf32, #tpu.memory_space<vmem>>
    %dma_start3A_316 = arith.constant 0 : i32
    %dma_start3A_317 = arith.constant 0 : i32
    %dma_start3A_318 = tpu.memref_slice %arg4[%add3A_310, %dma_start3A_316, %dma_start3A_317] : memref<4096x200x64xf32, #tpu.memory_space<hbm>> -> memref<1x200x64xf32, #tpu.memory_space<hbm>>
    %dma_start3A_319 = tpu.memref_squeeze %dma_start3A_318 : memref<1x200x64xf32, #tpu.memory_space<hbm>> -> memref<200x64xf32, #tpu.memory_space<hbm>>
    %dma_start3A_320 = arith.constant 0 : i32
    %dma_start3A_321 = arith.constant 0 : i32
    %dma_start3A_322 = tpu.memref_slice %arg4[%add3A_310, %dma_start3A_320, %dma_start3A_321] : memref<4096x200x64xf32, #tpu.memory_space<hbm>> -> memref<1x200x64xf32, #tpu.memory_space<hbm>>
    %dma_start3A_323 = tpu.memref_squeeze %dma_start3A_322 : memref<1x200x64xf32, #tpu.memory_space<hbm>> -> memref<200x64xf32, #tpu.memory_space<hbm>>
    %dma_start3A_324 = arith.constant 0 : i32
    %dma_start3A_325 = arith.constant 0 : i32
    %dma_start3A_326 = tpu.memref_slice %arg6[%dma_start3A_311, %dma_start3A_324, %dma_start3A_325] : memref<2x200x64xf32, #tpu.memory_space<vmem>> -> memref<1x200x64xf32, #tpu.memory_space<vmem>>
    %dma_start3A_327 = tpu.memref_squeeze %dma_start3A_326 : memref<1x200x64xf32, #tpu.memory_space<vmem>> -> memref<200x64xf32, #tpu.memory_space<vmem>>
    tpu.enqueue_dma source(%dma_start3A_327 : memref<200x64xf32, #tpu.memory_space<vmem>>) target(%dma_start3A_323 : memref<200x64xf32, #tpu.memory_space<hbm>>) target_semaphore(%arg12 : memref<!tpu.dma_semaphore, #tpu.memory_space<semaphore_mem>>)
    %add3A_328 = arith.constant 126 : i32
    %add3A_329 = arith.addi %mul3A_18, %add3A_328 : i32
    %dma_wait3A_330 = arith.constant 0 : i32
    %dma_wait3A_331 = arith.constant 0 : i32
    %dma_wait3A_332 = arith.constant 0 : i32
    %dma_wait3A_333 = tpu.memref_slice %arg6[%dma_wait3A_330, %dma_wait3A_331, %dma_wait3A_332] : memref<2x200x64xf32, #tpu.memory_space<vmem>> -> memref<1x200x64xf32, #tpu.memory_space<vmem>>
    %dma_wait3A_334 = tpu.memref_squeeze %dma_wait3A_333 : memref<1x200x64xf32, #tpu.memory_space<vmem>> -> memref<200x64xf32, #tpu.memory_space<vmem>>
    %dma_wait3A_335 = arith.constant 0 : i32
    %dma_wait3A_336 = arith.constant 0 : i32
    %dma_wait3A_337 = tpu.memref_slice %arg4[%add3A_329, %dma_wait3A_335, %dma_wait3A_336] : memref<4096x200x64xf32, #tpu.memory_space<hbm>> -> memref<1x200x64xf32, #tpu.memory_space<hbm>>
    %dma_wait3A_338 = tpu.memref_squeeze %dma_wait3A_337 : memref<1x200x64xf32, #tpu.memory_space<hbm>> -> memref<200x64xf32, #tpu.memory_space<hbm>>
    %dma_wait3A_339 = arith.constant 0 : i32
    %dma_wait3A_340 = arith.constant 0 : i32
    %dma_wait3A_341 = tpu.memref_slice %arg4[%add3A_329, %dma_wait3A_339, %dma_wait3A_340] : memref<4096x200x64xf32, #tpu.memory_space<hbm>> -> memref<1x200x64xf32, #tpu.memory_space<hbm>>
    %dma_wait3A_342 = tpu.memref_squeeze %dma_wait3A_341 : memref<1x200x64xf32, #tpu.memory_space<hbm>> -> memref<200x64xf32, #tpu.memory_space<hbm>>
    %dma_wait3A_343 = arith.constant 0 : i32
    %dma_wait3A_344 = arith.constant 0 : i32
    %dma_wait3A_345 = tpu.memref_slice %arg6[%dma_wait3A_330, %dma_wait3A_343, %dma_wait3A_344] : memref<2x200x64xf32, #tpu.memory_space<vmem>> -> memref<1x200x64xf32, #tpu.memory_space<vmem>>
    %dma_wait3A_346 = tpu.memref_squeeze %dma_wait3A_345 : memref<1x200x64xf32, #tpu.memory_space<vmem>> -> memref<200x64xf32, #tpu.memory_space<vmem>>
    tpu.wait_dma2 semaphore(%arg11 : memref<!tpu.dma_semaphore, #tpu.memory_space<semaphore_mem>>) src(%dma_wait3A_346 : memref<200x64xf32, #tpu.memory_space<vmem>>) dst(%dma_wait3A_342 : memref<200x64xf32, #tpu.memory_space<hbm>>)
    %add3A_347 = arith.constant 127 : i32
    %add3A_348 = arith.addi %mul3A_18, %add3A_347 : i32
    %dma_wait3A_349 = arith.constant 1 : i32
    %dma_wait3A_350 = arith.constant 0 : i32
    %dma_wait3A_351 = arith.constant 0 : i32
    %dma_wait3A_352 = tpu.memref_slice %arg6[%dma_wait3A_349, %dma_wait3A_350, %dma_wait3A_351] : memref<2x200x64xf32, #tpu.memory_space<vmem>> -> memref<1x200x64xf32, #tpu.memory_space<vmem>>
    %dma_wait3A_353 = tpu.memref_squeeze %dma_wait3A_352 : memref<1x200x64xf32, #tpu.memory_space<vmem>> -> memref<200x64xf32, #tpu.memory_space<vmem>>
    %dma_wait3A_354 = arith.constant 0 : i32
    %dma_wait3A_355 = arith.constant 0 : i32
    %dma_wait3A_356 = tpu.memref_slice %arg4[%add3A_348, %dma_wait3A_354, %dma_wait3A_355] : memref<4096x200x64xf32, #tpu.memory_space<hbm>> -> memref<1x200x64xf32, #tpu.memory_space<hbm>>
    %dma_wait3A_357 = tpu.memref_squeeze %dma_wait3A_356 : memref<1x200x64xf32, #tpu.memory_space<hbm>> -> memref<200x64xf32, #tpu.memory_space<hbm>>
    %dma_wait3A_358 = arith.constant 0 : i32
    %dma_wait3A_359 = arith.constant 0 : i32
    %dma_wait3A_360 = tpu.memref_slice %arg4[%add3A_348, %dma_wait3A_358, %dma_wait3A_359] : memref<4096x200x64xf32, #tpu.memory_space<hbm>> -> memref<1x200x64xf32, #tpu.memory_space<hbm>>
    %dma_wait3A_361 = tpu.memref_squeeze %dma_wait3A_360 : memref<1x200x64xf32, #tpu.memory_space<hbm>> -> memref<200x64xf32, #tpu.memory_space<hbm>>
    %dma_wait3A_362 = arith.constant 0 : i32
    %dma_wait3A_363 = arith.constant 0 : i32
    %dma_wait3A_364 = tpu.memref_slice %arg6[%dma_wait3A_349, %dma_wait3A_362, %dma_wait3A_363] : memref<2x200x64xf32, #tpu.memory_space<vmem>> -> memref<1x200x64xf32, #tpu.memory_space<vmem>>
    %dma_wait3A_365 = tpu.memref_squeeze %dma_wait3A_364 : memref<1x200x64xf32, #tpu.memory_space<vmem>> -> memref<200x64xf32, #tpu.memory_space<vmem>>
    tpu.wait_dma2 semaphore(%arg12 : memref<!tpu.dma_semaphore, #tpu.memory_space<semaphore_mem>>) src(%dma_wait3A_365 : memref<200x64xf32, #tpu.memory_space<vmem>>) dst(%dma_wait3A_361 : memref<200x64xf32, #tpu.memory_space<hbm>>)
    return
  }
}

</mosaic_0001>

<sc_bundles>
// kernel: kernel.3.cloned.1.call-start
scs
__scs_entry_jumppad:
0x0: {  	(pc) =	sbr.rel $0x88, $3  }
0x1: {  	(tag) =	ssettag $0x0;
	lr =	simm.s32 $0x1  }
0x2: {  	[smem:$0x3F9F] =	sst lr;
	_ =	strace $0xD0000000  }
0x3: {  	_ = 	snop  }
0x4: {  	_ = 	snop  }
0x5: {  	_ = 	snop  }
0x6: {  	_ = 	snop  }
0x7: {  	_ = 	snop  }
__scs_overlays_trampoline_lowered:
0x8: {  	[smem:$0x3FAE] =	sst s0  }
0x9: {  	[smem:$0x3FAF] =	sst s1  }
0xa: {  	[smem:$0x3FB0] =	sst s2  }
0xb: {  	[smem:$0x3FB1] =	sst s3  }
0xc: {  	[smem:$0x3FB2] =	sst s4  }
0xd: {  	[smem:$0x3FB3] =	sst s5  }
0xe: {  	[smem:$0x3FB4] =	sst s6  }
0xf: {  	[smem:$0x3FB5] =	sst s7  }
0x10: {  	[smem:$0x3FB6] =	sst s8  }
0x11: {  	[smem:$0x3FB7] =	sst s9;
	s0 =	simm.s32 @!p0 $0x0  }
0x12: {  	s1 =	sld [smem:$0x3F9D];
	s0 =	simm.s32 @p0 $0x1  }
0x13: {  	[smem:$0x3FB8] =	sst s0;
	s0 =	simm.s32 @!p1 $0x0  }
0x14: {  	s2 =	sld [smem:$0x3F9C];
	s0 =	simm.s32 @p1 $0x1  }
0x15: {  	[smem:$0x3FB9] =	sst s0;
	s0 =	simm.s32 @!p2 $0x0  }
0x16: {  	s3 =	sld [smem:$0x3FDB];
	s0 =	simm.s32 @p2 $0x1  }
0x17: {  	s4 =	simm.s32 $0x1BF5;
	[smem:$0x3FBB] =	sst s0  }
0x18: {  	s0 =	sld [smem:$0x3F9E];
	_ =	swait.ge [sflag:s4], $0x0  }
0x19: {  	s7 =	sld [smem:$0x3F9F]  }
0x1a: {  	s8 =	sadd.s32 $0xFFFFE003, lr  }
0x1b: {  	s9 =	sadd.s32 $0xFFFFFEF7, lr;
	s5 =	simm.s32 $0xFFFFFFFF;
	p2 =	slt.u32 s8, $0xFFFFF086  }
0x1c: {  	p1 =	slt.u32 s9, $0xF7A;
	s5 =	simm.s32 @!p2 $0x0  }
0x1d: {  	s5 =	simm.s32 @p1 $0x1;
	p0 =	seq.s32 s7, s2  }
0x1e: {  	s7 =	smul.u32 @!p0 $0xF7A, s2;
	p2 =	seq.s32 @!p0 s5, $0x0  }
0x1f: {  	s9 =	smul.u32 $0xF7A, s1;
	s8 =	simm.s32 @!p0 $0x1BF5;
	p2 =	por !p2, p0  }
0x20: {  	[sflag:s8] =	ssyncset.s32 @!p0 $0xFFFFF086;
	s6 =	sadd.s32 @!p0 s3, s7;
	s7 =	simm.s32 @!p0 $0x108  }
0x21: {  	s3 =	sadd.s32 s3, s9;
	s6 =	sadd.s32 @!p0 $0x88, s6;
	s7 =	simm.s32 @p2 $0x1082  }
0x22: {  	[simem:s7], [sflag:s8] =	dma.local @!p0 [hbm:s6], $0xF7A  }
0x23: {  	s9 =	sor.u32 $0xD0000000, s2;
	s6 =	simm.s32 $0x108;
	_ =	swait.ge @!p0 [sflag:s8], $0x0  }
0x24: {  	s3 =	sadd.s32 $0x88, s3;
	s6 =	simm.s32 @!p1 $0x1082;
	[sflag:s4] =	ssyncset.s32 $0xFFFFF086  }
0x25: {  	[simem:s6], [sflag:s4] =	dma.local [hbm:s3], $0xF7A  }
0x26: {  	[smem:$0x3F9F] =	sst s1;
	(tag) =	ssettag s2;
	_ =	strace s9  }
0x27: {  	s1 =	sld [smem:$0x3FAF]  }
0x28: {  	s2 =	sld [smem:$0x3FB0]  }
0x29: {  	s4 =	sld [smem:$0x3FB2]  }
0x2a: {  	p0 =	seq.s32 s5, $0x0;
	s5 =	sld [smem:$0x3FB3]  }
0x2b: {  	s6 =	sld [smem:$0x3FB4]  }
0x2c: {  	s7 =	sld [smem:$0x3FB5]  }
0x2d: {  	s3 =	simm.s32 $0x108;
	s8 =	sld [smem:$0x3FB6]  }
0x2e: {  	s3 =	simm.s32 @!p0 $0x1082;
	s9 =	sld [smem:$0x3FB7]  }
0x2f: {  	lr =	sadd.s32 s0, s3;
	s0 =	sld [smem:$0x3FAE]  }
0x30: {  	s3 =	sld [smem:$0x3FB1]  }
0x31: {  	[smem:$0x3FBA] =	sst s10  }
0x32: {  	s10 =	sld [smem:$0x3FB8];
	_ =	sdelay $0x3  }
0x33: {  	p0 =	seq.s32 s10, $0x1;
	s10 =	sld [smem:$0x3FBA];
	_ =	sdelay $0x3  }
0x34: {  	[smem:$0x3FBA] =	sst s10  }
0x35: {  	s10 =	sld [smem:$0x3FB9];
	_ =	sdelay $0x3  }
0x36: {  	p1 =	seq.s32 s10, $0x1;
	s10 =	sld [smem:$0x3FBA];
	_ =	sdelay $0x3  }
0x37: {  	[smem:$0x3FBA] =	sst s10  }
0x38: {  	s10 =	sld [smem:$0x3FBB]  }
0x39: {  	_ = 	snop;
	(pc) =	sbr.ind lr, $3  }
0x3a: {  	_ = 	snop  }
0x3b: {  	_ = 	snop  }
0x3c: {  	p2 =	seq.s32 s10, $0x1;
	s10 =	sld [smem:$0x3FBA]  }
0x3d: {  	_ =	shalt  }
0x3e: {  	_ =	shalt  }
0x3f: {  	_ =	shalt  }
0x40: {  	_ =	shalt  }
0x41: {  	_ =	shalt  }
0x42: {  	_ =	shalt  }
0x43: {  	_ =	shalt  }
0x44: {  	_ =	shalt  }
0x45: {  	_ =	shalt  }
0x46: {  	_ =	shalt  }
0x47: {  	_ =	shalt  }
0x48: {  	_ =	shalt  }
0x49: {  	_ =	shalt  }
0x4a: {  	_ =	shalt  }
0x4b: {  	_ =	shalt  }
0x4c: {  	_ =	shalt  }
0x4d: {  	_ =	shalt  }
0x4e: {  	_ =	shalt  }
0x4f: {  	_ =	shalt  }
0x50: {  	_ =	shalt  }
0x51: {  	_ =	shalt  }
0x52: {  	_ =	shalt  }
0x53: {  	_ =	shalt  }
0x54: {  	_ =	shalt  }
0x55: {  	_ =	shalt  }
0x56: {  	_ =	shalt  }
0x57: {  	_ =	shalt  }
0x58: {  	_ =	shalt  }
0x59: {  	_ =	shalt  }
0x5a: {  	_ =	shalt  }
0x5b: {  	_ =	shalt  }
0x5c: {  	_ =	shalt  }
0x5d: {  	_ =	shalt  }
0x5e: {  	_ =	shalt  }
0x5f: {  	_ =	shalt  }
0x60: {  	_ =	shalt  }
0x61: {  	_ =	shalt  }
0x62: {  	_ =	shalt  }
0x63: {  	_ =	shalt  }
0x64: {  	_ =	shalt  }
0x65: {  	_ =	shalt  }
0x66: {  	_ =	shalt  }
0x67: {  	_ =	shalt  }
0x68: {  	_ =	shalt  }
0x69: {  	_ =	shalt  }
0x6a: {  	_ =	shalt  }
0x6b: {  	_ =	shalt  }
0x6c: {  	_ =	shalt  }
0x6d: {  	_ =	shalt  }
0x6e: {  	_ =	shalt  }
0x6f: {  	_ =	shalt  }
0x70: {  	_ =	shalt  }
0x71: {  	_ =	shalt  }
0x72: {  	_ =	shalt  }
0x73: {  	_ =	shalt  }
0x74: {  	_ =	shalt  }
0x75: {  	_ =	shalt  }
0x76: {  	_ =	shalt  }
0x77: {  	_ =	shalt  }
0x78: {  	_ =	shalt  }
0x79: {  	_ =	shalt  }
0x7a: {  	_ =	shalt  }
0x7b: {  	_ =	shalt  }
0x7c: {  	_ =	shalt  }
0x7d: {  	_ =	shalt  }
0x7e: {  	_ =	shalt  }
0x7f: {  	_ =	shalt  }
0x80: {  	_ =	shalt  }
0x81: {  	_ =	shalt  }
0x82: {  	_ =	shalt  }
0x83: {  	_ =	shalt  }
0x84: {  	_ =	shalt  }
0x85: {  	_ =	shalt  }
0x86: {  	_ =	shalt  }
0x87: {  	_ =	shalt  }
.Lfunc_end0:
.L_simem_size_0:
called_computation_lowered:
.L_overlay_start_0:
0x88: {  	s2 =	sld [smem:$0x3FD9]  }
0x89: {  	s3 =	sld [smem:$0x3FFE];
	_ =	sdelay $0x1  }
0x8a: {  	s1 =	srdreg.scid  }
0x8b: {  	s0 =	sand.u32 $0x1, s1  }
0x8c: {  	s17 =	sshll.u32 s0, $0xA;
	s2 =	sadd.s32 s3, s2  }
0x8d: {  	s2 =	sadd.s32 s2, s17  }
0x8e: {  	[smem:$0x3FC6] =	sst s2  }
0x8f: {  	_ = 	snop  }
0x90: {  	s2 =	sld [smem:$0x3FD0];
	(tm) =	ssettm $0x1  }
0x91: {  	s18 =	sld [smem:$0x3FFB];
	_ =	sdelay $0x3  }
0x92: {  	_ =	strace s18  }
0x93: {  	s3 =	sld [smem:$0x3FFC];
	_ =	sdelay $0x3  }
0x94: {  	_ =	strace s3  }
0x95: {  	s3 =	sld [smem:$0x3FFD];
	_ =	sdelay $0x3  }
0x96: {  	_ =	strace s3  }
0x97: {  	_ =	strace $0x8FFFFFFF  }
0x98: {  	s19 =	sld [smem:$0x3FDB];
	_ =	sdelay $0x1  }
0x99: {  	s4 =	simm.s32 $_scs_section_size  }
0x9a: {  	s5 =	simm.s32 $_size__tile_overlayer_lowered;
	s6 =	simm.s32 $_tile_overlayer_lowered  }
0x9b: {  	s22 =	simm.s32 $0x1BFF;
	s21 =	sshll.u32 s6, $0x1;
	s3 =	sadd.s32 s4, s19  }
0x9c: {  	s7 =	simm.s32 $0x0;
	s20 =	sshll.u32 s5, $0x1;
	s5 =	sadd.s32 s21, s3  }
0x9d: {  	[timem:s7], [sflag:s22] =	dma.local [hbm:s5], s20  }
0x9e: {  	_ =	swait.ge [sflag:s22], s20  }
0x9f: {  	s4 =	ssub.s32 $0x0, s20;
	[sflag:s22] =	ssyncset.done $0x0  }
0xa0: {  	[sflag:s22] =	ssyncadd.s32 s4;
	_ =	sdelay $0x1  }
0xa1: {  	s23 =	simm.s32 $0x1B8B  }
0xa2: {  	_ =	swait.ge [sflag:s23], $0x1  }
0xa3: {  	[sflag:s23] =	ssyncset.done $0x0  }
0xa4: {  	s25 =	simm.s32 $0x1B8E;
	s24 =	sld [smem:$0x3FFE];
	[sflag:s23] =	ssyncadd.s32 $0xFFFFFFFF  }
0xa5: {  	s26 =	simm.s32 $execute0_lowered;
	[smem:$0x3FD2] =	sst s25  }
0xa6: {  	s5 =	sshll.u32 s26, $0x1;
	_ =	strace $0x80000046;
	[dreg:$0x1] =	wrdreg $0xFFFFFFFF  }
0xa7: {  	s28 =	simm.s32 $_size_execute0_lowered;
	s3 =	sadd.s32 s3, s5;
	[dreg:$0x0] =	wrdreg $0x0  }
0xa8: {  	s5 =	sshll.u32 s28, $0x1;
	[dreg:$0x2] =	wrdreg s3  }
0xa9: {  	[dreg:$0x3] =	wrdreg s5  }
0xaa: {  	[dreg:$0x4] =	wrdreg $0xC0  }
0xab: {  	_ =	task [dreg:s7], $0x5FFFF  }
0xac: {  	[dreg:$0x1] =	wrdreg $0xFFFFFFFF  }
0xad: {  	[dreg:$0x0] =	wrdreg $0x60  }
0xae: {  	[dreg:$0x2] =	wrdreg s2  }
0xaf: {  	[dreg:$0x3] =	wrdreg s24  }
0xb0: {  	[dreg:$0x4] =	wrdreg $0x148000  }
0xb1: {  	[dreg:$0x5] =	wrdreg $0x9  }
0xb2: {  	_ =	task.clear_ibuf [dreg:s7], $0x6FFFF;
	_ =	strace $0x90000046  }
0xb3: {  	s29 =	simm.s32 $0x9;
	_ =	strace $0x80000048  }
0xb4: {  	_ =	swait.ge [sflag:s29], $0x1  }
0xb5: {  	[sflag:s29] =	ssyncadd.s32 $0xFFFFFFFF  }
0xb6: {  	_ =	strace $0x90000048  }
0xb7: {  	_ =	sfence  }
0xb8: {  	s30 =	sld [smem:$0x0];
	_ =	sdelay $0x2  }
0xb9: {  	s31 =	sshll.u32 s1, $0xD;
	s1 =	sshrl.u32 s1, $0x2  }
0xba: {  	s3 =	sand.u32 $0x4000, s31;
	s1 =	sadd.s32 s1, s30  }
0xbb: {  	s0 =	sor.u32 s3, s0;
	s1 =	sshll.u32 s1, $0x11  }
0xbc: {  	s0 =	sor.u32 s1, s0  }
0xbd: {  	s0 =	sadd.s32 $0x8F2B, s0  }
0xbe: {  	[sflag:s0] =	ssyncadd.remote.s32 $0x1  }
0xbf: {  	_ =	sfence.sel $0xFFFF  }
0xc0: {  	[dreg:$0x0] =	wrdreg $0xFFFFFFFF;
	(pc) =	sbr.abs _section_cstart, $3  }
0xc1: {  	[dreg:$0x1] =	wrdreg $0xFFFFFFFF  }
0xc2: {  	_ =	task.clear_ibuf [dreg:s7], $0x2FFFF;
	_ =	strace $0x9FFFFFFF  }
0xc3: {  	(tm) =	ssettm $0x7FFFFFFF  }
tec
execute0_lowered:
.L_overlay_start_1:
0x0: {  	(tag) =	ssettag $0x1  }
0x1: {  	s0 =	rddreg [dreg:$0x0]  }
0x2: {  	s1 =	rddreg [dreg:$0x1]  }
0x3: {  	s2 =	rddreg [dreg:$0x2];
	s3 =	simm.s32 $0x0;
	s13 =	stileid.u32  }
0x4: {  	s4 =	srdreg.scid;
	s15 =	simm.s32 $0x5;
	s29 =	simm.s32 $0x280  }
0x5: {  	s30 =	simm.s32 $0x2;
	s31 =	simm.s32 $0x4;
	[smem:$0x7FF] =	sst s3  }
0x6: {  	s5 =	sshll.u32 s13, $0xA;
	s9 =	sand.u32 $0x1, s4;
	s7 =	sshll.u32 s13, $0x1  }
0x7: {  	s8 =	sshll.u32 s13, $0xF;
	s19 =	sshll.u32 s13, $0x6;
	s25 =	smul.u32 $0xC8000, s13  }
0x8: {  	_ =	strace $0x80000047;
	s16 =	sadd.s32 s5, s1;
	s1 =	sadd.s32 $0x4400, s1  }
0x9: {  	s17 =	ssub.s32 $0x2, s9;
	s7 =	sor.u32 s9, s7;
	s18 =	sshrl.u32 s8, $0x2  }
0xa: {  	s20 =	sadd.s32 $0x8000, s8;
	s5 =	sor.u32 $0x1C05, s19;
	s26 =	smul.u32 $0x64000, s9  }
0xb: {  	s6 =	sshrl.u32 s17, $0x1;
	s14 =	sadd.s32 s18, s2;
	s11 =	smul.u32 $0x320000, s7  }
0xc: {  	s4 =	sadd.s32 $0x400, s16;
	s21 =	sshll.u32 s7, $0xC;
	s23 =	smul.u32 $0x64000, s7  }
0xd: {  	s18 =	simm.s32 $0x8000;
	s16 =	simm.s32 $0x0;
	s12 =	ssub.s32 s17, s6  }
0xe: {  	s6 =	sand.u32 $0x78000, s20;
	s14 =	sshrl.u32 s14, $0x3;
	s17 =	simm.s32 $0x64  }
0xf: {  	s20 =	simm.s32 $0xB200;
	s10 =	sshrl.u32 s6, $0x2;
	s6 =	sadd.s32 s0, s21  }
0x10: {  	s24 =	sshrl.u32 s11, $0x3;
	s8 =	sadd.s32 s1, s23;
	s12 =	smax.u32 s12, $0x1  }
0x11: {  	s22 =	sadd.s32 s10, s2;
	s0 =	sadd.s32 s1, s24;
	s9 =	sadd.s32 $0xC80, s8  }
0x12: {  	s1 =	sadd.s32 s25, s1;
	s24 =	simm.s32 $0x11600;
	s25 =	simm.s32 $0x1  }
0x13: {  	s7 =	sadd.s32 $0x1800, s22;
	s10 =	sadd.s32 $0x62700, s0;
	s11 =	sadd.s32 $0x63380, s0  }
0x14: {  	s28 =	sadd.s32 s26, s1;
	s22 =	simm.s32 $0xE400;
	s26 =	simm.s32 $0x3  }
0x15: {  	s0 =	simm.s32 $0x7F00;
	s1 =	simm.s32 $0x7F80;
	s13 =	sadd.s32 $0x1900, s28  }
.LBB2_1:
0x16: {  	[spmem:s14], [sflag:s5] =	dma.local [hbm:s4], $0x400  }
0x17: {  	_ =	swait.ge [sflag:s15], $0x400  }
0x18: {  	[sflag:s15] =	ssyncset.done $0x0  }
0x19: {  	[sflag:s15] =	ssyncadd.s32 $0xFFFFFC00  }
0x1a: {  	[tilespmem:s3], [sflag:$0x5] =	stream.linear.gather [hbm4b:s6+s3], $0x8000, $0x38;
	[tilespmem:$0x16000] =	vst v63  }
0x1b: {  	_ =	swait.ge [sflag:s15], $0x8000  }
0x1c: {  	[sflag:s15] =	ssyncset.done $0x0  }
0x1d: {  	[sflag:s15] =	ssyncadd.s32 $0xFFFF8000  }
0x1e: {  	s19 =	simm.s32 $0x15800;
	[bflag:$0x0] =	sbarrier.arrive $0xFFFF  }
0x1f: {  	[tilespmem:s19], [sflag:$0x5] =	stream.linear.gather [spmem:s7], $0x800, $0x38;
	[tilespmem:$0x16000] =	vst v63  }
0x20: {  	_ =	swait.ge [sflag:s15], $0x800  }
0x21: {  	[sflag:s15] =	ssyncset.done $0x0  }
0x22: {  	[sflag:s15] =	ssyncadd.s32 $0xFFFFF800  }
0x23: {  	[bflag:$0x0] =	sbarrier.arrive $0xFFFF  }
0x24: {  	[tilespmem:s18], [sflag:$0x1] =	stream.indirect.gather [spmem:s2], $0x40, s3, s17, $0xb8;
	[tilespmem:$0x16000] =	vst v63  }
0x25: {  	s23 =	simm.s32 $0x80  }
0x26: {  	[tilespmem:s20], [sflag:$0x1] =	stream.indirect.gather [spmem:s2], $0x40, s23, s17, $0xb8;
	[tilespmem:$0x16000] =	vst v63  }
0x27: {  	s28 =	simm.s32 $0x100  }
0x28: {  	[tilespmem:s22], [sflag:$0x2] =	stream.indirect.gather [spmem:s2], $0x40, s28, s17, $0xb8;
	[tilespmem:$0x16000] =	vst v63  }
0x29: {  	s21 =	simm.s32 $0x180  }
0x2a: {  	[tilespmem:s24], [sflag:$0x2] =	stream.indirect.gather [spmem:s2], $0x40, s21, s17, $0xb8;
	[tilespmem:$0x16000] =	vst v63  }
0x2b: {  	_ =	swait.ge [sflag:s25], $0x1900  }
0x2c: {  	[sflag:s25] =	ssyncset.done $0x0  }
0x2d: {  	[sflag:s25] =	ssyncadd.s32 $0xFFFFE700  }
0x2e: {  	_ =	swait.ge [sflag:s25], $0x1900  }
0x2f: {  	[sflag:s25] =	ssyncset.done $0x0  }
0x30: {  	[sflag:s25] =	ssyncadd.s32 $0xFFFFE700  }
0x31: {  	[hbm4b:s8+s3] =	stream.linear.scatter [tilespmem:s18], [sflag:$0x3], $0x6400, $0x38;
	[tilespmem:$0x16000] =	vst v63  }
0x32: {  	_ =	swait.ge [sflag:s26], $0x6400  }
0x33: {  	[sflag:s26] =	ssyncset.done $0x0  }
0x34: {  	s23 =	simm.s32 $0x200;
	[sflag:s26] =	ssyncadd.s32 $0xFFFF9C00  }
0x35: {  	[tilespmem:s18], [sflag:$0x1] =	stream.indirect.gather [spmem:s2], $0x40, s23, s17, $0xb8;
	[tilespmem:$0x16000] =	vst v63  }
0x36: {  	_ = 	snop  }
0x37: {  	[tilespmem:s20], [sflag:$0x1] =	stream.indirect.gather [spmem:s2], $0x40, s29, s17, $0xb8;
	[tilespmem:$0x16000] =	vst v63  }
0x38: {  	_ =	swait.ge [sflag:s30], $0x1900  }
0x39: {  	[sflag:s30] =	ssyncset.done $0x0  }
0x3a: {  	[sflag:s30] =	ssyncadd.s32 $0xFFFFE700  }
0x3b: {  	_ =	swait.ge [sflag:s30], $0x1900  }
0x3c: {  	[sflag:s30] =	ssyncset.done $0x0  }
0x3d: {  	[sflag:s30] =	ssyncadd.s32 $0xFFFFE700  }
0x3e: {  	[hbm4b:s9+s3] =	stream.linear.scatter [tilespmem:s22], [sflag:$0x4], $0x6400, $0x38;
	[tilespmem:$0x16000] =	vst v63  }
0x3f: {  	_ =	swait.ge [sflag:s31], $0x6400  }
0x40: {  	[sflag:s31] =	ssyncset.done $0x0  }
0x41: {  	s28 =	simm.s32 $0x300;
	[sflag:s31] =	ssyncadd.s32 $0xFFFF9C00  }
0x42: {  	[tilespmem:s22], [sflag:$0x2] =	stream.indirect.gather [spmem:s2], $0x40, s28, s17, $0xb8;
	[tilespmem:$0x16000] =	vst v63  }
0x43: {  	s21 =	simm.s32 $0x380  }
0x44: {  	[tilespmem:s24], [sflag:$0x2] =	stream.indirect.gather [spmem:s2], $0x40, s21, s17, $0xb8;
	[tilespmem:$0x16000] =	vst v63  }
0x45: {  	_ =	swait.ge [sflag:s25], $0x1900  }
0x46: {  	[sflag:s25] =	ssyncset.done $0x0  }
0x47: {  	[sflag:s25] =	ssyncadd.s32 $0xFFFFE700  }
0x48: {  	_ =	swait.ge [sflag:s25], $0x1900  }
0x49: {  	[sflag:s25] =	ssyncset.done $0x0  }
0x4a: {  	[sflag:s25] =	ssyncadd.s32 $0xFFFFE700  }
0x4b: {  	[hbm4b:s13+s3] =	stream.linear.scatter [tilespmem:s18], [sflag:$0x3], $0x6400, $0x38;
	[tilespmem:$0x16000] =	vst v63  }
0x4c: {  	_ =	swait.ge [sflag:s26], $0x6400  }
0x4d: {  	[sflag:s26] =	ssyncset.done $0x0  }
0x4e: {  	s23 =	simm.s32 $0x400;
	[sflag:s26] =	ssyncadd.s32 $0xFFFF9C00  }
0x4f: {  	[tilespmem:s18], [sflag:$0x1] =	stream.indirect.gather [spmem:s2], $0x40, s23, s17, $0xb8;
	[tilespmem:$0x16000] =	vst v63  }
0x50: {  	s28 =	simm.s32 $0x480  }
0x51: {  	[tilespmem:s20], [sflag:$0x1] =	stream.indirect.gather [spmem:s2], $0x40, s28, s17, $0xb8;
	[tilespmem:$0x16000] =	vst v63  }
0x52: {  	_ =	swait.ge [sflag:s30], $0x1900  }
0x53: {  	[sflag:s30] =	ssyncset.done $0x0  }
0x54: {  	[sflag:s30] =	ssyncadd.s32 $0xFFFFE700  }
0x55: {  	_ =	swait.ge [sflag:s30], $0x1900  }
0x56: {  	s19 =	simm.s32 $0x800;
	[sflag:s30] =	ssyncset.done $0x0  }
0x57: {  	s21 =	sadd.s32 $0x1900, s13;
	s23 =	sadd.s32 $0xC80, s13;
	[sflag:s30] =	ssyncadd.s32 $0xFFFFE700  }
.LBB2_2:
0x58: {  	[hbm4b:s23+s3] =	stream.linear.scatter [tilespmem:s22], [sflag:$0x4], $0x6400, $0x38;
	[tilespmem:$0x16000] =	vst v63  }
0x59: {  	s23 =	smov.u32 s19  }
0x5a: {  	p0 =	sne.s32 s19, $0x1E800;
	s19 =	sadd.s32 $0x800, s19;
	_ =	swait.ge [sflag:s31], $0x6400  }
0x5b: {  	s23 =	sshra.s32 s23, $0x2;
	[sflag:s31] =	ssyncset.done $0x0  }
0x5c: {  	s28 =	sadd.s32 $0x300, s23;
	[sflag:s31] =	ssyncadd.s32 $0xFFFF9C00  }
0x5d: {  	[tilespmem:s22], [sflag:$0x2] =	stream.indirect.gather [spmem:s2], $0x40, s28, s17, $0xb8;
	[tilespmem:$0x16000] =	vst v63  }
0x5e: {  	s28 =	sadd.s32 $0x380, s23  }
0x5f: {  	[tilespmem:s24], [sflag:$0x2] =	stream.indirect.gather [spmem:s2], $0x40, s28, s17, $0xb8;
	[tilespmem:$0x16000] =	vst v63  }
0x60: {  	_ =	swait.ge [sflag:s25], $0x1900  }
0x61: {  	[sflag:s25] =	ssyncset.done $0x0  }
0x62: {  	[sflag:s25] =	ssyncadd.s32 $0xFFFFE700  }
0x63: {  	_ =	swait.ge [sflag:s25], $0x1900  }
0x64: {  	[sflag:s25] =	ssyncset.done $0x0  }
0x65: {  	[sflag:s25] =	ssyncadd.s32 $0xFFFFE700  }
0x66: {  	[hbm4b:s21+s3] =	stream.linear.scatter [tilespmem:s18], [sflag:$0x3], $0x6400, $0x38;
	[tilespmem:$0x16000] =	vst v63  }
0x67: {  	_ =	swait.ge [sflag:s26], $0x6400  }
0x68: {  	[sflag:s26] =	ssyncset.done $0x0  }
0x69: {  	s28 =	sadd.s32 $0x400, s23;
	[sflag:s26] =	ssyncadd.s32 $0xFFFF9C00  }
0x6a: {  	[tilespmem:s18], [sflag:$0x1] =	stream.indirect.gather [spmem:s2], $0x40, s28, s17, $0xb8;
	[tilespmem:$0x16000] =	vst v63  }
0x6b: {  	s23 =	sadd.s32 $0x480, s23  }
0x6c: {  	[tilespmem:s20], [sflag:$0x1] =	stream.indirect.gather [spmem:s2], $0x40, s23, s17, $0xb8;
	[tilespmem:$0x16000] =	vst v63  }
0x6d: {  	_ =	swait.ge [sflag:s30], $0x1900  }
.Ltmp0:
0x6e: {  	[sflag:s30] =	ssyncset.done $0x0;
	(pc) =	sbr.rel @p0 .LBB2_2-.Ltmp0, $4  }
0x6f: {  	[sflag:s30] =	ssyncadd.s32 $0xFFFFE700  }
0x70: {  	_ =	swait.ge [sflag:s30], $0x1900  }
0x71: {  	[sflag:s30] =	ssyncset.done $0x0  }
0x72: {  	s23 =	sadd.s32 $0xC80, s21;
	s21 =	sadd.s32 $0x1900, s21;
	[sflag:s30] =	ssyncadd.s32 $0xFFFFE700  }
0x73: {  	[hbm4b:s23+s3] =	stream.linear.scatter [tilespmem:s22], [sflag:$0x4], $0x6400, $0x38;
	[tilespmem:$0x16000] =	vst v63  }
0x74: {  	_ =	swait.ge [sflag:s31], $0x6400  }
0x75: {  	[sflag:s31] =	ssyncset.done $0x0  }
0x76: {  	[sflag:s31] =	ssyncadd.s32 $0xFFFF9C00  }
0x77: {  	[tilespmem:s22], [sflag:$0x2] =	stream.indirect.gather [spmem:s2], $0x40, s0, s17, $0xb8;
	[tilespmem:$0x16000] =	vst v63  }
0x78: {  	_ = 	snop  }
0x79: {  	[tilespmem:s24], [sflag:$0x2] =	stream.indirect.gather [spmem:s2], $0x40, s1, s17, $0xb8;
	[tilespmem:$0x16000] =	vst v63  }
0x7a: {  	_ =	swait.ge [sflag:s25], $0x1900  }
0x7b: {  	[sflag:s25] =	ssyncset.done $0x0  }
0x7c: {  	[sflag:s25] =	ssyncadd.s32 $0xFFFFE700  }
0x7d: {  	_ =	swait.ge [sflag:s25], $0x1900  }
0x7e: {  	[sflag:s25] =	ssyncset.done $0x0  }
0x7f: {  	[sflag:s25] =	ssyncadd.s32 $0xFFFFE700  }
0x80: {  	[hbm4b:s10+s3] =	stream.linear.scatter [tilespmem:s18], [sflag:$0x3], $0x6400, $0x38;
	[tilespmem:$0x16000] =	vst v63  }
0x81: {  	_ =	swait.ge [sflag:s30], $0x1900  }
0x82: {  	[sflag:s30] =	ssyncset.done $0x0  }
0x83: {  	[sflag:s30] =	ssyncadd.s32 $0xFFFFE700  }
0x84: {  	_ =	swait.ge [sflag:s30], $0x1900  }
0x85: {  	[sflag:s30] =	ssyncset.done $0x0  }
0x86: {  	s16 =	sadd.s32 $0x1, s16;
	[sflag:s30] =	ssyncadd.s32 $0xFFFFE700  }
0x87: {  	[hbm4b:s11+s3] =	stream.linear.scatter [tilespmem:s22], [sflag:$0x4], $0x6400, $0x38;
	[tilespmem:$0x16000] =	vst v63  }
0x88: {  	p0 =	sne.s32 s16, s12;
	_ =	swait.ge [sflag:s26], $0x6400  }
.Ltmp1:
0x89: {  	[sflag:s26] =	ssyncset.done $0x0;
	(pc) =	sbr.rel @p0 .LBB2_1-.Ltmp1, $4  }
0x8a: {  	[sflag:s26] =	ssyncadd.s32 $0xFFFF9C00  }
0x8b: {  	_ =	swait.ge [sflag:s31], $0x6400  }
0x8c: {  	[sflag:s31] =	ssyncset.done $0x0  }
0x8d: {  	[sflag:s31] =	ssyncadd.s32 $0xFFFF9C00  }
0x8e: {  	_ =	sfence.sel $0x180000  }
0x8f: {  	[bflag:$0x0] =	sbarrier.arrive $0xFFFF  }
0x90: {  	_ =	strace $0x90000047  }
0x91: {  	s0 =	stileid.u32;
	[bflag:$0x2] =	sbarrier.arrive $0xFFFF  }
0x92: {  	p0 =	sne.s32 s0, $0x0;
	s0 =	rddreg [dreg:$0x3]  }
0x93: {  	s0 =	sadd.s32 @!p0 $0x100000, s0  }
0x94: {  	[sflag:s0] =	ssyncadd.tile.s32 @!p0 $0x1;
	_ =	shalt  }
.Lfunc_end2:
_tile_overlayer_lowered:
.L_overlay_start_2:
0x95: {  	(tag) =	ssettag $0x2  }
0x96: {  	s0 =	rddreg [dreg:$0x0];
	s2 =	stileid.u32  }
0x97: {  	s1 =	rddreg [dreg:$0x1];
	p0 =	sne.s32 s2, $0x0  }
0x98: {  	s3 =	rddreg [dreg:$0x2];
	[bflag:$0x3] =	sbarrier.arrive $0xFFFF;
	s2 =	simm.s32 @!p0 $0x1C05  }
0x99: {  	[timem:s3], [sflag:s2] =	dma.local @!p0 [hbm:s0], s1  }
0x9a: {  	s0 =	simm.s32 @!p0 $0x5  }
0x9b: {  	_ =	swait.ge @!p0 [sflag:s0], s1  }
0x9c: {  	s1 =	ssub.s32 @!p0 $0x0, s1;
	[sflag:s0] =	ssyncset.done @!p0 $0x0  }
0x9d: {  	[sflag:s0] =	ssyncadd.s32 @!p0 s1  }
0x9e: {  	[bflag:$0x3] =	sbarrier.arrive $0xFFFF  }
0x9f: {  	_ =	shalt  }

</sc_bundles>
